<compile_context>
chip_gen: v7x
topology: tpu7x:2x2x1
jax: 0.10.2.dev20260603
libtpu: 0.0.44.dev20260713+nightly
codegen_flags: <defaults>
</compile_context>

<pallas_src>
import functools

import jax
import jax.numpy as jnp
from jax import lax
from jax.experimental import pallas as pl
from jax.experimental.pallas import tpu as pltpu
from jax.experimental.pallas import tpu_sc as plsc

NC = 2
NS = 16
CH = 8
NBUF = 4


def kernel(past_k, past_v, past_cu_seqlens, cur_k, cur_v, cur_cu_seqlens):
    nb = past_cu_seqlens.shape[0] - 1
    past_len = past_k.shape[0] // nb
    cur_len = cur_k.shape[0] // nb
    new_len = past_len + cur_len
    tail = past_k.shape[1:]
    total_new = nb * new_len

    workers_per_tensor = NC * NS // 2
    halves = workers_per_tensor // nb
    rows_per_half = past_len // halves
    n_ch = rows_per_half // CH
    n_outer = n_ch // NBUF

    mesh = plsc.VectorSubcoreMesh(core_axis_name="c", subcore_axis_name="s")

    @functools.partial(
        pl.kernel,
        mesh=mesh,
        out_type=[
            jax.ShapeDtypeStruct((total_new,) + tail, past_k.dtype),
            jax.ShapeDtypeStruct((total_new,) + tail, past_v.dtype),
            jax.ShapeDtypeStruct(past_cu_seqlens.shape, past_cu_seqlens.dtype),
        ],
        scratch_types=(
            [pltpu.VMEM((CH,) + tail, past_k.dtype) for _ in range(NBUF)]
            + [pltpu.VMEM((16,), jnp.int32) for _ in range(3)]
            + [pltpu.SemaphoreType.DMA for _ in range(2 * NBUF)]
        ),
    )
    def splice(pk, pv, pcu, ck, cv, ccu, nk, nv, ncu,
               b0, b1, b2, b3, a_v, c_v, o_v,
               g0, g1, g2, g3, s0, s1, s2, s3):
        wid = lax.axis_index("s") * NC + lax.axis_index("c")
        bufs = (b0, b1, b2, b3)
        gs = (g0, g1, g2, g3)
        ss = (s0, s1, s2, s3)

        def stream_tensor(w, past_ref, cur_ref, out_ref):
            b = w // halves
            h = w % halves
            src0 = b * past_len + h * rows_per_half
            dst0 = b * new_len + h * rows_per_half

            def gather(ci, k):
                pltpu.make_async_copy(
                    past_ref.at[pl.ds(src0 + ci * CH, CH)], bufs[k], gs[k]).start()

            def wait_gather(k):
                pltpu.make_async_copy(
                    past_ref.at[pl.ds(src0, CH)], bufs[k], gs[k]).wait()

            def scatter(ci, k):
                pltpu.make_async_copy(
                    bufs[k], out_ref.at[pl.ds(dst0 + ci * CH, CH)], ss[k]).start()

            def wait_scatter(k):
                pltpu.make_async_copy(
                    bufs[k], out_ref.at[pl.ds(dst0, CH)], ss[k]).wait()

            def round_(i, first):
                for k in range(NBUF):
                    if not first:
                        wait_scatter(k)
                    gather(i * NBUF + k, k)
                for k in range(NBUF):
                    wait_gather(k)
                    scatter(i * NBUF + k, k)

            round_(0, True)

            def body(i, carry):
                for k in range(NBUF):
                    wait_scatter(k)
                    pltpu.make_async_copy(
                        past_ref.at[pl.ds(src0 + (i * NBUF + k) * CH, CH)],
                        bufs[k], gs[k]).start()
                for k in range(NBUF):
                    wait_gather(k)
                    pltpu.make_async_copy(
                        bufs[k],
                        out_ref.at[pl.ds(dst0 + (i * NBUF + k) * CH, CH)],
                        ss[k]).start()
                return carry

            lax.fori_loop(1, n_outer, body, 0)

            for k in range(NBUF):
                wait_scatter(k)

            @pl.when(h == halves - 1)
            def _():
                pltpu.sync_copy(cur_ref.at[pl.ds(b * cur_len, cur_len)],
                                bufs[0].at[pl.ds(0, cur_len)])
                pltpu.sync_copy(bufs[0].at[pl.ds(0, cur_len)],
                                out_ref.at[pl.ds(b * new_len + past_len, cur_len)])

        @pl.when(wid < workers_per_tensor)
        def _():
            stream_tensor(wid, pk, ck, nk)

        @pl.when(wid >= workers_per_tensor)
        def _():
            stream_tensor(wid - workers_per_tensor, pv, cv, nv)

        @pl.when(wid == 0)
        def _():
            n = pcu.shape[0]
            pltpu.sync_copy(pcu, a_v.at[pl.ds(0, n)])
            pltpu.sync_copy(ccu, c_v.at[pl.ds(0, n)])
            o_v[...] = a_v[...] + c_v[...]
            pltpu.sync_copy(o_v.at[pl.ds(0, n)], ncu)

    return tuple(splice(past_k, past_v, past_cu_seqlens, cur_k, cur_v, cur_cu_seqlens))

# --- scband reference (transcript-rebuilt; emitter-appended) ---
"""Pipeline reference for scband-transformer-decoder-kvcache-60902636258021 (READ-ONLY COPY).

The authoritative reference and input builder live on the scoring server;
editing this copy changes nothing except your own understanding.
"""

import jax, jax.numpy as jnp
import numpy as np

B = 8
PAST_LEN_PER_SEQ = 1024
CUR_LEN_PER_SEQ = 4
H = 16
D = 128


def setup_inputs(seed: int = 0) -> dict:
    key = jax.random.key(seed)
    k1, k2, k3, k4 = jax.random.split(key, 4)
    past_total = B * PAST_LEN_PER_SEQ
    cur_total = B * CUR_LEN_PER_SEQ
    past_k = jax.random.normal(k1, (past_total, H, D), dtype=jnp.float32)
    past_v = jax.random.normal(k2, (past_total, H, D), dtype=jnp.float32)
    cur_k = jax.random.normal(k3, (cur_total, H, D), dtype=jnp.float32)
    cur_v = jax.random.normal(k4, (cur_total, H, D), dtype=jnp.float32)
    past_cu_seqlens = (jnp.arange(B + 1, dtype=jnp.int32) * PAST_LEN_PER_SEQ)
    cur_cu_seqlens = (jnp.arange(B + 1, dtype=jnp.int32) * CUR_LEN_PER_SEQ)
    return {
        "past_k": past_k,
        "past_v": past_v,
        "past_cu_seqlens": past_cu_seqlens,
        "cur_k": cur_k,
        "cur_v": cur_v,
        "cur_cu_seqlens": cur_cu_seqlens,
    }


def reference(past_k, past_v, past_cu_seqlens, cur_k, cur_v, cur_cu_seqlens):
    # Faithful translation of TransformerDecoderKVCache.append for THD layout:
    # interleave per-sequence past segments with per-sequence current segments.
    batch = past_cu_seqlens.shape[0] - 1
    past_len = past_k.shape[0] // batch
    cur_len = cur_k.shape[0] // batch

    def _append_varlen_x(past_x, cur_x):
        tail = past_x.shape[1:]
        p = past_x.reshape((batch, past_len) + tail)
        c = cur_x.reshape((batch, cur_len) + tail)
        inter = jnp.concatenate([p, c], axis=1)
        return inter.reshape((batch * (past_len + cur_len),) + tail)

    new_k = _append_varlen_x(past_k, cur_k)
    new_v = _append_varlen_x(past_v, cur_v)
    new_cu_seqlens = past_cu_seqlens + cur_cu_seqlens
    return new_k, new_v, new_cu_seqlens

if __name__ == "__main__":
    import jax
    _d = setup_inputs()
    print(jax.jit(kernel)(*tuple(_d.values())))

</pallas_src>

<mosaic_0001>
#map = affine_map<(d0, d1) -> (0, 0, 0)>
#map1 = affine_map<(d0, d1) -> (0)>
module attributes {stable_mosaic.version = 14 : i64} {
  func.func @splice(%arg0: i32, %arg1: i32, %arg2: memref<8192x16x128xf32, #tpu.memory_space<hbm>>, %arg3: memref<8192x16x128xf32, #tpu.memory_space<hbm>>, %arg4: memref<9xi32, #tpu.memory_space<hbm>>, %arg5: memref<32x16x128xf32, #tpu.memory_space<hbm>>, %arg6: memref<32x16x128xf32, #tpu.memory_space<hbm>>, %arg7: memref<9xi32, #tpu.memory_space<hbm>>, %arg8: memref<8224x16x128xf32, #tpu.memory_space<hbm>>, %arg9: memref<8224x16x128xf32, #tpu.memory_space<hbm>>, %arg10: memref<9xi32, #tpu.memory_space<hbm>>, %arg11: memref<8x16x128xf32, #tpu.memory_space<vmem>>, %arg12: memref<8x16x128xf32, #tpu.memory_space<vmem>>, %arg13: memref<8x16x128xf32, #tpu.memory_space<vmem>>, %arg14: memref<8x16x128xf32, #tpu.memory_space<vmem>>, %arg15: memref<16xi32, #tpu.memory_space<vmem>>, %arg16: memref<16xi32, #tpu.memory_space<vmem>>, %arg17: memref<16xi32, #tpu.memory_space<vmem>>, %arg18: memref<!tpu.dma_semaphore, #tpu.memory_space<semaphore_mem>>, %arg19: memref<!tpu.dma_semaphore, #tpu.memory_space<semaphore_mem>>, %arg20: memref<!tpu.dma_semaphore, #tpu.memory_space<semaphore_mem>>, %arg21: memref<!tpu.dma_semaphore, #tpu.memory_space<semaphore_mem>>, %arg22: memref<!tpu.dma_semaphore, #tpu.memory_space<semaphore_mem>>, %arg23: memref<!tpu.dma_semaphore, #tpu.memory_space<semaphore_mem>>, %arg24: memref<!tpu.dma_semaphore, #tpu.memory_space<semaphore_mem>>, %arg25: memref<!tpu.dma_semaphore, #tpu.memory_space<semaphore_mem>>) attributes {dimension_semantics = [#tpu.dimension_semantics<core_parallel>, #tpu.dimension_semantics<subcore_parallel>], iteration_bounds = array<i64: 2, 16>, scalar_prefetch = 0 : i64, scratch_operands = 15 : i64, tpu.core_type = #tpu.core_type<sc_vector_subcore>, window_params = [{transform_indices = #map}, {transform_indices = #map}, {transform_indices = #map1}, {transform_indices = #map}, {transform_indices = #map}, {transform_indices = #map1}, {transform_indices = #map}, {transform_indices = #map}, {transform_indices = #map1}]} {
    %mul3A = arith.constant 2 : i32
    %mul3A_0 = arith.muli %arg1, %mul3A : i32
    %add3A = arith.addi %mul3A_0, %arg0 : i32
    %lt3A = arith.constant 16 : i32
    %lt3A_1 = arith.cmpi slt, %add3A, %lt3A : i32
    %convert_element_type3A = arith.extui %lt3A_1 : i1 to i32
    %cond3A = arith.constant 0 : i32
    %cond3A_2 = arith.cmpi ne, %convert_element_type3A, %cond3A : i32
    scf.if %cond3A_2 {
      %jit3A = arith.constant 2 : i32
      %div3A = arith.divsi %add3A, %jit3A : i32
      %sign3A = arith.constant 0 : i32
      %sign3A_11 = arith.cmpi sgt, %add3A, %sign3A : i32
      %sign3A_12 = arith.extui %sign3A_11 : i1 to i32
      %sign3A_13 = arith.constant 0 : i32
      %sign3A_14 = arith.cmpi slt, %add3A, %sign3A_13 : i32
      %sign3A_15 = arith.extui %sign3A_14 : i1 to i32
      %sign3A_16 = arith.subi %sign3A_12, %sign3A_15 : i32
      %sign3A_17 = arith.constant 0 : i32
      %sign3A_18 = arith.cmpi sgt, %jit3A, %sign3A_17 : i32
      %sign3A_19 = arith.extui %sign3A_18 : i1 to i32
      %sign3A_20 = arith.constant 0 : i32
      %sign3A_21 = arith.cmpi slt, %jit3A, %sign3A_20 : i32
      %sign3A_22 = arith.extui %sign3A_21 : i1 to i32
      %sign3A_23 = arith.subi %sign3A_19, %sign3A_22 : i32
      %ne3A = arith.cmpi ne, %sign3A_16, %sign3A_23 : i32
      %rem3A = arith.remsi %add3A, %jit3A : i32
      %ne3A_24 = arith.constant 0 : i32
      %ne3A_25 = arith.cmpi ne, %rem3A, %ne3A_24 : i32
      %and3A = arith.andi %ne3A, %ne3A_25 : i1
      %sub3A = arith.constant 1 : i32
      %sub3A_26 = arith.subi %div3A, %sub3A : i32
      %select_n3A = arith.select %and3A, %sub3A_26, %div3A : i32
      %jit3A_27 = arith.constant 2 : i32
      %eq3A_28 = arith.constant 0 : i32
      %eq3A_29 = arith.cmpi eq, %jit3A_27, %eq3A_28 : i32
      %jit3A_30 = arith.constant 1 : i32
      %select_n3A_31 = arith.select %eq3A_29, %jit3A_30, %jit3A_27 : i32
      %rem3A_32 = arith.remsi %add3A, %select_n3A_31 : i32
      %ne3A_33 = arith.constant 0 : i32
      %ne3A_34 = arith.cmpi ne, %rem3A_32, %ne3A_33 : i32
      %lt3A_35 = arith.constant 0 : i32
      %lt3A_36 = arith.cmpi slt, %rem3A_32, %lt3A_35 : i32
      %lt3A_37 = arith.constant 0 : i32
      %lt3A_38 = arith.cmpi slt, %select_n3A_31, %lt3A_37 : i32
      %ne3A_39 = arith.xori %lt3A_36, %lt3A_38 : i1
      %and3A_40 = arith.andi %ne3A_39, %ne3A_34 : i1
      %add3A_41 = arith.addi %rem3A_32, %select_n3A_31 : i32
      %select_n3A_42 = arith.select %and3A_40, %add3A_41, %rem3A_32 : i32
      %mul3A_43 = arith.constant 1024 : i32
      %mul3A_44 = arith.muli %select_n3A, %mul3A_43 : i32
      %mul3A_45 = arith.constant 512 : i32
      %mul3A_46 = arith.muli %select_n3A_42, %mul3A_45 : i32
      %add3A_47 = arith.addi %mul3A_44, %mul3A_46 : i32
      %mul3A_48 = arith.constant 1028 : i32
      %mul3A_49 = arith.muli %select_n3A, %mul3A_48 : i32
      %mul3A_50 = arith.constant 512 : i32
      %mul3A_51 = arith.muli %select_n3A_42, %mul3A_50 : i32
      %add3A_52 = arith.addi %mul3A_49, %mul3A_51 : i32
      %add3A_53 = arith.constant 0 : i32
      %add3A_54 = arith.addi %add3A_47, %add3A_53 : i32
      %dma_start3A = arith.constant 0 : i32
      %dma_start3A_55 = arith.constant 0 : i32
      %dma_start3A_56 = tpu.memref_slice %arg2[%add3A_54, %dma_start3A, %dma_start3A_55] : memref<8192x16x128xf32, #tpu.memory_space<hbm>> -> memref<8x16x128xf32, #tpu.memory_space<hbm>>
      %dma_start3A_57 = arith.constant 0 : i32
      %dma_start3A_58 = arith.constant 0 : i32
      %dma_start3A_59 = tpu.memref_slice %arg2[%add3A_54, %dma_start3A_57, %dma_start3A_58] : memref<8192x16x128xf32, #tpu.memory_space<hbm>> -> memref<8x16x128xf32, #tpu.memory_space<hbm>>
      tpu.enqueue_dma source(%dma_start3A_59 : memref<8x16x128xf32, #tpu.memory_space<hbm>>) target(%arg11 : memref<8x16x128xf32, #tpu.memory_space<vmem>>) target_semaphore(%arg18 : memref<!tpu.dma_semaphore, #tpu.memory_space<semaphore_mem>>)
      %add3A_60 = arith.constant 8 : i32
      %add3A_61 = arith.addi %add3A_47, %add3A_60 : i32
      %dma_start3A_62 = arith.constant 0 : i32
      %dma_start3A_63 = arith.constant 0 : i32
      %dma_start3A_64 = tpu.memref_slice %arg2[%add3A_61, %dma_start3A_62, %dma_start3A_63] : memref<8192x16x128xf32, #tpu.memory_space<hbm>> -> memref<8x16x128xf32, #tpu.memory_space<hbm>>
      %dma_start3A_65 = arith.constant 0 : i32
      %dma_start3A_66 = arith.constant 0 : i32
      %dma_start3A_67 = tpu.memref_slice %arg2[%add3A_61, %dma_start3A_65, %dma_start3A_66] : memref<8192x16x128xf32, #tpu.memory_space<hbm>> -> memref<8x16x128xf32, #tpu.memory_space<hbm>>
      tpu.enqueue_dma source(%dma_start3A_67 : memref<8x16x128xf32, #tpu.memory_space<hbm>>) target(%arg12 : memref<8x16x128xf32, #tpu.memory_space<vmem>>) target_semaphore(%arg19 : memref<!tpu.dma_semaphore, #tpu.memory_space<semaphore_mem>>)
      %add3A_68 = arith.constant 16 : i32
      %add3A_69 = arith.addi %add3A_47, %add3A_68 : i32
      %dma_start3A_70 = arith.constant 0 : i32
      %dma_start3A_71 = arith.constant 0 : i32
      %dma_start3A_72 = tpu.memref_slice %arg2[%add3A_69, %dma_start3A_70, %dma_start3A_71] : memref<8192x16x128xf32, #tpu.memory_space<hbm>> -> memref<8x16x128xf32, #tpu.memory_space<hbm>>
      %dma_start3A_73 = arith.constant 0 : i32
      %dma_start3A_74 = arith.constant 0 : i32
      %dma_start3A_75 = tpu.memref_slice %arg2[%add3A_69, %dma_start3A_73, %dma_start3A_74] : memref<8192x16x128xf32, #tpu.memory_space<hbm>> -> memref<8x16x128xf32, #tpu.memory_space<hbm>>
      tpu.enqueue_dma source(%dma_start3A_75 : memref<8x16x128xf32, #tpu.memory_space<hbm>>) target(%arg13 : memref<8x16x128xf32, #tpu.memory_space<vmem>>) target_semaphore(%arg20 : memref<!tpu.dma_semaphore, #tpu.memory_space<semaphore_mem>>)
      %add3A_76 = arith.constant 24 : i32
      %add3A_77 = arith.addi %add3A_47, %add3A_76 : i32
      %dma_start3A_78 = arith.constant 0 : i32
      %dma_start3A_79 = arith.constant 0 : i32
      %dma_start3A_80 = tpu.memref_slice %arg2[%add3A_77, %dma_start3A_78, %dma_start3A_79] : memref<8192x16x128xf32, #tpu.memory_space<hbm>> -> memref<8x16x128xf32, #tpu.memory_space<hbm>>
      %dma_start3A_81 = arith.constant 0 : i32
      %dma_start3A_82 = arith.constant 0 : i32
      %dma_start3A_83 = tpu.memref_slice %arg2[%add3A_77, %dma_start3A_81, %dma_start3A_82] : memref<8192x16x128xf32, #tpu.memory_space<hbm>> -> memref<8x16x128xf32, #tpu.memory_space<hbm>>
      tpu.enqueue_dma source(%dma_start3A_83 : memref<8x16x128xf32, #tpu.memory_space<hbm>>) target(%arg14 : memref<8x16x128xf32, #tpu.memory_space<vmem>>) target_semaphore(%arg21 : memref<!tpu.dma_semaphore, #tpu.memory_space<semaphore_mem>>)
      %dma_wait3A = arith.constant 0 : i32
      %dma_wait3A_84 = arith.constant 0 : i32
      %dma_wait3A_85 = tpu.memref_slice %arg2[%add3A_47, %dma_wait3A, %dma_wait3A_84] : memref<8192x16x128xf32, #tpu.memory_space<hbm>> -> memref<8x16x128xf32, #tpu.memory_space<hbm>>
      %dma_wait3A_86 = arith.constant 0 : i32
      %dma_wait3A_87 = arith.constant 0 : i32
      %dma_wait3A_88 = tpu.memref_slice %arg2[%add3A_47, %dma_wait3A_86, %dma_wait3A_87] : memref<8192x16x128xf32, #tpu.memory_space<hbm>> -> memref<8x16x128xf32, #tpu.memory_space<hbm>>
      tpu.wait_dma2 semaphore(%arg18 : memref<!tpu.dma_semaphore, #tpu.memory_space<semaphore_mem>>) src(%dma_wait3A_88 : memref<8x16x128xf32, #tpu.memory_space<hbm>>) dst(%arg11 : memref<8x16x128xf32, #tpu.memory_space<vmem>>)
      %add3A_89 = arith.constant 0 : i32
      %add3A_90 = arith.addi %add3A_52, %add3A_89 : i32
      %dma_start3A_91 = arith.constant 0 : i32
      %dma_start3A_92 = arith.constant 0 : i32
      %dma_start3A_93 = tpu.memref_slice %arg8[%add3A_90, %dma_start3A_91, %dma_start3A_92] : memref<8224x16x128xf32, #tpu.memory_space<hbm>> -> memref<8x16x128xf32, #tpu.memory_space<hbm>>
      %dma_start3A_94 = arith.constant 0 : i32
      %dma_start3A_95 = arith.constant 0 : i32
      %dma_start3A_96 = tpu.memref_slice %arg8[%add3A_90, %dma_start3A_94, %dma_start3A_95] : memref<8224x16x128xf32, #tpu.memory_space<hbm>> -> memref<8x16x128xf32, #tpu.memory_space<hbm>>
      tpu.enqueue_dma source(%arg11 : memref<8x16x128xf32, #tpu.memory_space<vmem>>) target(%dma_start3A_96 : memref<8x16x128xf32, #tpu.memory_space<hbm>>) target_semaphore(%arg22 : memref<!tpu.dma_semaphore, #tpu.memory_space<semaphore_mem>>)
      %dma_wait3A_97 = arith.constant 0 : i32
      %dma_wait3A_98 = arith.constant 0 : i32
      %dma_wait3A_99 = tpu.memref_slice %arg2[%add3A_47, %dma_wait3A_97, %dma_wait3A_98] : memref<8192x16x128xf32, #tpu.memory_space<hbm>> -> memref<8x16x128xf32, #tpu.memory_space<hbm>>
      %dma_wait3A_100 = arith.constant 0 : i32
      %dma_wait3A_101 = arith.constant 0 : i32
      %dma_wait3A_102 = tpu.memref_slice %arg2[%add3A_47, %dma_wait3A_100, %dma_wait3A_101] : memref<8192x16x128xf32, #tpu.memory_space<hbm>> -> memref<8x16x128xf32, #tpu.memory_space<hbm>>
      tpu.wait_dma2 semaphore(%arg19 : memref<!tpu.dma_semaphore, #tpu.memory_space<semaphore_mem>>) src(%dma_wait3A_102 : memref<8x16x128xf32, #tpu.memory_space<hbm>>) dst(%arg12 : memref<8x16x128xf32, #tpu.memory_space<vmem>>)
      %add3A_103 = arith.constant 8 : i32
      %add3A_104 = arith.addi %add3A_52, %add3A_103 : i32
      %dma_start3A_105 = arith.constant 0 : i32
      %dma_start3A_106 = arith.constant 0 : i32
      %dma_start3A_107 = tpu.memref_slice %arg8[%add3A_104, %dma_start3A_105, %dma_start3A_106] : memref<8224x16x128xf32, #tpu.memory_space<hbm>> -> memref<8x16x128xf32, #tpu.memory_space<hbm>>
      %dma_start3A_108 = arith.constant 0 : i32
      %dma_start3A_109 = arith.constant 0 : i32
      %dma_start3A_110 = tpu.memref_slice %arg8[%add3A_104, %dma_start3A_108, %dma_start3A_109] : memref<8224x16x128xf32, #tpu.memory_space<hbm>> -> memref<8x16x128xf32, #tpu.memory_space<hbm>>
      tpu.enqueue_dma source(%arg12 : memref<8x16x128xf32, #tpu.memory_space<vmem>>) target(%dma_start3A_110 : memref<8x16x128xf32, #tpu.memory_space<hbm>>) target_semaphore(%arg23 : memref<!tpu.dma_semaphore, #tpu.memory_space<semaphore_mem>>)
      %dma_wait3A_111 = arith.constant 0 : i32
      %dma_wait3A_112 = arith.constant 0 : i32
      %dma_wait3A_113 = tpu.memref_slice %arg2[%add3A_47, %dma_wait3A_111, %dma_wait3A_112] : memref<8192x16x128xf32, #tpu.memory_space<hbm>> -> memref<8x16x128xf32, #tpu.memory_space<hbm>>
      %dma_wait3A_114 = arith.constant 0 : i32
      %dma_wait3A_115 = arith.constant 0 : i32
      %dma_wait3A_116 = tpu.memref_slice %arg2[%add3A_47, %dma_wait3A_114, %dma_wait3A_115] : memref<8192x16x128xf32, #tpu.memory_space<hbm>> -> memref<8x16x128xf32, #tpu.memory_space<hbm>>
      tpu.wait_dma2 semaphore(%arg20 : memref<!tpu.dma_semaphore, #tpu.memory_space<semaphore_mem>>) src(%dma_wait3A_116 : memref<8x16x128xf32, #tpu.memory_space<hbm>>) dst(%arg13 : memref<8x16x128xf32, #tpu.memory_space<vmem>>)
      %add3A_117 = arith.constant 16 : i32
      %add3A_118 = arith.addi %add3A_52, %add3A_117 : i32
      %dma_start3A_119 = arith.constant 0 : i32
      %dma_start3A_120 = arith.constant 0 : i32
      %dma_start3A_121 = tpu.memref_slice %arg8[%add3A_118, %dma_start3A_119, %dma_start3A_120] : memref<8224x16x128xf32, #tpu.memory_space<hbm>> -> memref<8x16x128xf32, #tpu.memory_space<hbm>>
      %dma_start3A_122 = arith.constant 0 : i32
      %dma_start3A_123 = arith.constant 0 : i32
      %dma_start3A_124 = tpu.memref_slice %arg8[%add3A_118, %dma_start3A_122, %dma_start3A_123] : memref<8224x16x128xf32, #tpu.memory_space<hbm>> -> memref<8x16x128xf32, #tpu.memory_space<hbm>>
      tpu.enqueue_dma source(%arg13 : memref<8x16x128xf32, #tpu.memory_space<vmem>>) target(%dma_start3A_124 : memref<8x16x128xf32, #tpu.memory_space<hbm>>) target_semaphore(%arg24 : memref<!tpu.dma_semaphore, #tpu.memory_space<semaphore_mem>>)
      %dma_wait3A_125 = arith.constant 0 : i32
      %dma_wait3A_126 = arith.constant 0 : i32
      %dma_wait3A_127 = tpu.memref_slice %arg2[%add3A_47, %dma_wait3A_125, %dma_wait3A_126] : memref<8192x16x128xf32, #tpu.memory_space<hbm>> -> memref<8x16x128xf32, #tpu.memory_space<hbm>>
      %dma_wait3A_128 = arith.constant 0 : i32
      %dma_wait3A_129 = arith.constant 0 : i32
      %dma_wait3A_130 = tpu.memref_slice %arg2[%add3A_47, %dma_wait3A_128, %dma_wait3A_129] : memref<8192x16x128xf32, #tpu.memory_space<hbm>> -> memref<8x16x128xf32, #tpu.memory_space<hbm>>
      tpu.wait_dma2 semaphore(%arg21 : memref<!tpu.dma_semaphore, #tpu.memory_space<semaphore_mem>>) src(%dma_wait3A_130 : memref<8x16x128xf32, #tpu.memory_space<hbm>>) dst(%arg14 : memref<8x16x128xf32, #tpu.memory_space<vmem>>)
      %add3A_131 = arith.constant 24 : i32
      %add3A_132 = arith.addi %add3A_52, %add3A_131 : i32
      %dma_start3A_133 = arith.constant 0 : i32
      %dma_start3A_134 = arith.constant 0 : i32
      %dma_start3A_135 = tpu.memref_slice %arg8[%add3A_132, %dma_start3A_133, %dma_start3A_134] : memref<8224x16x128xf32, #tpu.memory_space<hbm>> -> memref<8x16x128xf32, #tpu.memory_space<hbm>>
      %dma_start3A_136 = arith.constant 0 : i32
      %dma_start3A_137 = arith.constant 0 : i32
      %dma_start3A_138 = tpu.memref_slice %arg8[%add3A_132, %dma_start3A_136, %dma_start3A_137] : memref<8224x16x128xf32, #tpu.memory_space<hbm>> -> memref<8x16x128xf32, #tpu.memory_space<hbm>>
      tpu.enqueue_dma source(%arg14 : memref<8x16x128xf32, #tpu.memory_space<vmem>>) target(%dma_start3A_138 : memref<8x16x128xf32, #tpu.memory_space<hbm>>) target_semaphore(%arg25 : memref<!tpu.dma_semaphore, #tpu.memory_space<semaphore_mem>>)
      %scan3A = arith.constant 0 : i32
      %scan3A_139 = arith.constant 1 : i32
      %scan3A_140 = arith.constant 15 : i32
      %scan3A_141 = arith.addi %scan3A_139, %scan3A_140 : i32
      %scan3A_142 = arith.constant 1 : i32
      scf.for %scan3A_173 = %scan3A_139 to %scan3A_141 step %scan3A_142  : i32 {
        %dma_wait3A_174 = arith.constant 0 : i32
        %dma_wait3A_175 = arith.constant 0 : i32
        %dma_wait3A_176 = tpu.memref_slice %arg8[%add3A_52, %dma_wait3A_174, %dma_wait3A_175] : memref<8224x16x128xf32, #tpu.memory_space<hbm>> -> memref<8x16x128xf32, #tpu.memory_space<hbm>>
        %dma_wait3A_177 = arith.constant 0 : i32
        %dma_wait3A_178 = arith.constant 0 : i32
        %dma_wait3A_179 = tpu.memref_slice %arg8[%add3A_52, %dma_wait3A_177, %dma_wait3A_178] : memref<8224x16x128xf32, #tpu.memory_space<hbm>> -> memref<8x16x128xf32, #tpu.memory_space<hbm>>
        tpu.wait_dma2 semaphore(%arg22 : memref<!tpu.dma_semaphore, #tpu.memory_space<semaphore_mem>>) src(%arg11 : memref<8x16x128xf32, #tpu.memory_space<vmem>>) dst(%dma_wait3A_179 : memref<8x16x128xf32, #tpu.memory_space<hbm>>)
        %mul3A_180 = arith.constant 4 : i32
        %mul3A_181 = arith.muli %scan3A_173, %mul3A_180 : i32
        %add3A_182 = arith.constant 0 : i32
        %add3A_183 = arith.addi %mul3A_181, %add3A_182 : i32
        %mul3A_184 = arith.constant 8 : i32
        %mul3A_185 = arith.muli %add3A_183, %mul3A_184 : i32
        %add3A_186 = arith.addi %add3A_47, %mul3A_185 : i32
        %dma_start3A_187 = arith.constant 0 : i32
        %dma_start3A_188 = arith.constant 0 : i32
        %dma_start3A_189 = tpu.memref_slice %arg2[%add3A_186, %dma_start3A_187, %dma_start3A_188] : memref<8192x16x128xf32, #tpu.memory_space<hbm>> -> memref<8x16x128xf32, #tpu.memory_space<hbm>>
        %dma_start3A_190 = arith.constant 0 : i32
        %dma_start3A_191 = arith.constant 0 : i32
        %dma_start3A_192 = tpu.memref_slice %arg2[%add3A_186, %dma_start3A_190, %dma_start3A_191] : memref<8192x16x128xf32, #tpu.memory_space<hbm>> -> memref<8x16x128xf32, #tpu.memory_space<hbm>>
        tpu.enqueue_dma source(%dma_start3A_192 : memref<8x16x128xf32, #tpu.memory_space<hbm>>) target(%arg11 : memref<8x16x128xf32, #tpu.memory_space<vmem>>) target_semaphore(%arg18 : memref<!tpu.dma_semaphore, #tpu.memory_space<semaphore_mem>>)
        %dma_wait3A_193 = arith.constant 0 : i32
        %dma_wait3A_194 = arith.constant 0 : i32
        %dma_wait3A_195 = tpu.memref_slice %arg8[%add3A_52, %dma_wait3A_193, %dma_wait3A_194] : memref<8224x16x128xf32, #tpu.memory_space<hbm>> -> memref<8x16x128xf32, #tpu.memory_space<hbm>>
        %dma_wait3A_196 = arith.constant 0 : i32
        %dma_wait3A_197 = arith.constant 0 : i32
        %dma_wait3A_198 = tpu.memref_slice %arg8[%add3A_52, %dma_wait3A_196, %dma_wait3A_197] : memref<8224x16x128xf32, #tpu.memory_space<hbm>> -> memref<8x16x128xf32, #tpu.memory_space<hbm>>
        tpu.wait_dma2 semaphore(%arg23 : memref<!tpu.dma_semaphore, #tpu.memory_space<semaphore_mem>>) src(%arg12 : memref<8x16x128xf32, #tpu.memory_space<vmem>>) dst(%dma_wait3A_198 : memref<8x16x128xf32, #tpu.memory_space<hbm>>)
        %mul3A_199 = arith.constant 4 : i32
        %mul3A_200 = arith.muli %scan3A_173, %mul3A_199 : i32
        %add3A_201 = arith.constant 1 : i32
        %add3A_202 = arith.addi %mul3A_200, %add3A_201 : i32
        %mul3A_203 = arith.constant 8 : i32
        %mul3A_204 = arith.muli %add3A_202, %mul3A_203 : i32
        %add3A_205 = arith.addi %add3A_47, %mul3A_204 : i32
        %dma_start3A_206 = arith.constant 0 : i32
        %dma_start3A_207 = arith.constant 0 : i32
        %dma_start3A_208 = tpu.memref_slice %arg2[%add3A_205, %dma_start3A_206, %dma_start3A_207] : memref<8192x16x128xf32, #tpu.memory_space<hbm>> -> memref<8x16x128xf32, #tpu.memory_space<hbm>>
        %dma_start3A_209 = arith.constant 0 : i32
        %dma_start3A_210 = arith.constant 0 : i32
        %dma_start3A_211 = tpu.memref_slice %arg2[%add3A_205, %dma_start3A_209, %dma_start3A_210] : memref<8192x16x128xf32, #tpu.memory_space<hbm>> -> memref<8x16x128xf32, #tpu.memory_space<hbm>>
        tpu.enqueue_dma source(%dma_start3A_211 : memref<8x16x128xf32, #tpu.memory_space<hbm>>) target(%arg12 : memref<8x16x128xf32, #tpu.memory_space<vmem>>) target_semaphore(%arg19 : memref<!tpu.dma_semaphore, #tpu.memory_space<semaphore_mem>>)
        %dma_wait3A_212 = arith.constant 0 : i32
        %dma_wait3A_213 = arith.constant 0 : i32
        %dma_wait3A_214 = tpu.memref_slice %arg8[%add3A_52, %dma_wait3A_212, %dma_wait3A_213] : memref<8224x16x128xf32, #tpu.memory_space<hbm>> -> memref<8x16x128xf32, #tpu.memory_space<hbm>>
        %dma_wait3A_215 = arith.constant 0 : i32
        %dma_wait3A_216 = arith.constant 0 : i32
        %dma_wait3A_217 = tpu.memref_slice %arg8[%add3A_52, %dma_wait3A_215, %dma_wait3A_216] : memref<8224x16x128xf32, #tpu.memory_space<hbm>> -> memref<8x16x128xf32, #tpu.memory_space<hbm>>
        tpu.wait_dma2 semaphore(%arg24 : memref<!tpu.dma_semaphore, #tpu.memory_space<semaphore_mem>>) src(%arg13 : memref<8x16x128xf32, #tpu.memory_space<vmem>>) dst(%dma_wait3A_217 : memref<8x16x128xf32, #tpu.memory_space<hbm>>)
        %mul3A_218 = arith.constant 4 : i32
        %mul3A_219 = arith.muli %scan3A_173, %mul3A_218 : i32
        %add3A_220 = arith.constant 2 : i32
        %add3A_221 = arith.addi %mul3A_219, %add3A_220 : i32
        %mul3A_222 = arith.constant 8 : i32
        %mul3A_223 = arith.muli %add3A_221, %mul3A_222 : i32
        %add3A_224 = arith.addi %add3A_47, %mul3A_223 : i32
        %dma_start3A_225 = arith.constant 0 : i32
        %dma_start3A_226 = arith.constant 0 : i32
        %dma_start3A_227 = tpu.memref_slice %arg2[%add3A_224, %dma_start3A_225, %dma_start3A_226] : memref<8192x16x128xf32, #tpu.memory_space<hbm>> -> memref<8x16x128xf32, #tpu.memory_space<hbm>>
        %dma_start3A_228 = arith.constant 0 : i32
        %dma_start3A_229 = arith.constant 0 : i32
        %dma_start3A_230 = tpu.memref_slice %arg2[%add3A_224, %dma_start3A_228, %dma_start3A_229] : memref<8192x16x128xf32, #tpu.memory_space<hbm>> -> memref<8x16x128xf32, #tpu.memory_space<hbm>>
        tpu.enqueue_dma source(%dma_start3A_230 : memref<8x16x128xf32, #tpu.memory_space<hbm>>) target(%arg13 : memref<8x16x128xf32, #tpu.memory_space<vmem>>) target_semaphore(%arg20 : memref<!tpu.dma_semaphore, #tpu.memory_space<semaphore_mem>>)
        %dma_wait3A_231 = arith.constant 0 : i32
        %dma_wait3A_232 = arith.constant 0 : i32
        %dma_wait3A_233 = tpu.memref_slice %arg8[%add3A_52, %dma_wait3A_231, %dma_wait3A_232] : memref<8224x16x128xf32, #tpu.memory_space<hbm>> -> memref<8x16x128xf32, #tpu.memory_space<hbm>>
        %dma_wait3A_234 = arith.constant 0 : i32
        %dma_wait3A_235 = arith.constant 0 : i32
        %dma_wait3A_236 = tpu.memref_slice %arg8[%add3A_52, %dma_wait3A_234, %dma_wait3A_235] : memref<8224x16x128xf32, #tpu.memory_space<hbm>> -> memref<8x16x128xf32, #tpu.memory_space<hbm>>
        tpu.wait_dma2 semaphore(%arg25 : memref<!tpu.dma_semaphore, #tpu.memory_space<semaphore_mem>>) src(%arg14 : memref<8x16x128xf32, #tpu.memory_space<vmem>>) dst(%dma_wait3A_236 : memref<8x16x128xf32, #tpu.memory_space<hbm>>)
        %mul3A_237 = arith.constant 4 : i32
        %mul3A_238 = arith.muli %scan3A_173, %mul3A_237 : i32
        %add3A_239 = arith.constant 3 : i32
        %add3A_240 = arith.addi %mul3A_238, %add3A_239 : i32
        %mul3A_241 = arith.constant 8 : i32
        %mul3A_242 = arith.muli %add3A_240, %mul3A_241 : i32
        %add3A_243 = arith.addi %add3A_47, %mul3A_242 : i32
        %dma_start3A_244 = arith.constant 0 : i32
        %dma_start3A_245 = arith.constant 0 : i32
        %dma_start3A_246 = tpu.memref_slice %arg2[%add3A_243, %dma_start3A_244, %dma_start3A_245] : memref<8192x16x128xf32, #tpu.memory_space<hbm>> -> memref<8x16x128xf32, #tpu.memory_space<hbm>>
        %dma_start3A_247 = arith.constant 0 : i32
        %dma_start3A_248 = arith.constant 0 : i32
        %dma_start3A_249 = tpu.memref_slice %arg2[%add3A_243, %dma_start3A_247, %dma_start3A_248] : memref<8192x16x128xf32, #tpu.memory_space<hbm>> -> memref<8x16x128xf32, #tpu.memory_space<hbm>>
        tpu.enqueue_dma source(%dma_start3A_249 : memref<8x16x128xf32, #tpu.memory_space<hbm>>) target(%arg14 : memref<8x16x128xf32, #tpu.memory_space<vmem>>) target_semaphore(%arg21 : memref<!tpu.dma_semaphore, #tpu.memory_space<semaphore_mem>>)
        %dma_wait3A_250 = arith.constant 0 : i32
        %dma_wait3A_251 = arith.constant 0 : i32
        %dma_wait3A_252 = tpu.memref_slice %arg2[%add3A_47, %dma_wait3A_250, %dma_wait3A_251] : memref<8192x16x128xf32, #tpu.memory_space<hbm>> -> memref<8x16x128xf32, #tpu.memory_space<hbm>>
        %dma_wait3A_253 = arith.constant 0 : i32
        %dma_wait3A_254 = arith.constant 0 : i32
        %dma_wait3A_255 = tpu.memref_slice %arg2[%add3A_47, %dma_wait3A_253, %dma_wait3A_254] : memref<8192x16x128xf32, #tpu.memory_space<hbm>> -> memref<8x16x128xf32, #tpu.memory_space<hbm>>
        tpu.wait_dma2 semaphore(%arg18 : memref<!tpu.dma_semaphore, #tpu.memory_space<semaphore_mem>>) src(%dma_wait3A_255 : memref<8x16x128xf32, #tpu.memory_space<hbm>>) dst(%arg11 : memref<8x16x128xf32, #tpu.memory_space<vmem>>)
        %mul3A_256 = arith.constant 4 : i32
        %mul3A_257 = arith.muli %scan3A_173, %mul3A_256 : i32
        %add3A_258 = arith.constant 0 : i32
        %add3A_259 = arith.addi %mul3A_257, %add3A_258 : i32
        %mul3A_260 = arith.constant 8 : i32
        %mul3A_261 = arith.muli %add3A_259, %mul3A_260 : i32
        %add3A_262 = arith.addi %add3A_52, %mul3A_261 : i32
        %dma_start3A_263 = arith.constant 0 : i32
        %dma_start3A_264 = arith.constant 0 : i32
        %dma_start3A_265 = tpu.memref_slice %arg8[%add3A_262, %dma_start3A_263, %dma_start3A_264] : memref<8224x16x128xf32, #tpu.memory_space<hbm>> -> memref<8x16x128xf32, #tpu.memory_space<hbm>>
        %dma_start3A_266 = arith.constant 0 : i32
        %dma_start3A_267 = arith.constant 0 : i32
        %dma_start3A_268 = tpu.memref_slice %arg8[%add3A_262, %dma_start3A_266, %dma_start3A_267] : memref<8224x16x128xf32, #tpu.memory_space<hbm>> -> memref<8x16x128xf32, #tpu.memory_space<hbm>>
        tpu.enqueue_dma source(%arg11 : memref<8x16x128xf32, #tpu.memory_space<vmem>>) target(%dma_start3A_268 : memref<8x16x128xf32, #tpu.memory_space<hbm>>) target_semaphore(%arg22 : memref<!tpu.dma_semaphore, #tpu.memory_space<semaphore_mem>>)
        %dma_wait3A_269 = arith.constant 0 : i32
        %dma_wait3A_270 = arith.constant 0 : i32
        %dma_wait3A_271 = tpu.memref_slice %arg2[%add3A_47, %dma_wait3A_269, %dma_wait3A_270] : memref<8192x16x128xf32, #tpu.memory_space<hbm>> -> memref<8x16x128xf32, #tpu.memory_space<hbm>>
        %dma_wait3A_272 = arith.constant 0 : i32
        %dma_wait3A_273 = arith.constant 0 : i32
        %dma_wait3A_274 = tpu.memref_slice %arg2[%add3A_47, %dma_wait3A_272, %dma_wait3A_273] : memref<8192x16x128xf32, #tpu.memory_space<hbm>> -> memref<8x16x128xf32, #tpu.memory_space<hbm>>
        tpu.wait_dma2 semaphore(%arg19 : memref<!tpu.dma_semaphore, #tpu.memory_space<semaphore_mem>>) src(%dma_wait3A_274 : memref<8x16x128xf32, #tpu.memory_space<hbm>>) dst(%arg12 : memref<8x16x128xf32, #tpu.memory_space<vmem>>)
        %mul3A_275 = arith.constant 4 : i32
        %mul3A_276 = arith.muli %scan3A_173, %mul3A_275 : i32
        %add3A_277 = arith.constant 1 : i32
        %add3A_278 = arith.addi %mul3A_276, %add3A_277 : i32
        %mul3A_279 = arith.constant 8 : i32
        %mul3A_280 = arith.muli %add3A_278, %mul3A_279 : i32
        %add3A_281 = arith.addi %add3A_52, %mul3A_280 : i32
        %dma_start3A_282 = arith.constant 0 : i32
        %dma_start3A_283 = arith.constant 0 : i32
        %dma_start3A_284 = tpu.memref_slice %arg8[%add3A_281, %dma_start3A_282, %dma_start3A_283] : memref<8224x16x128xf32, #tpu.memory_space<hbm>> -> memref<8x16x128xf32, #tpu.memory_space<hbm>>
        %dma_start3A_285 = arith.constant 0 : i32
        %dma_start3A_286 = arith.constant 0 : i32
        %dma_start3A_287 = tpu.memref_slice %arg8[%add3A_281, %dma_start3A_285, %dma_start3A_286] : memref<8224x16x128xf32, #tpu.memory_space<hbm>> -> memref<8x16x128xf32, #tpu.memory_space<hbm>>
        tpu.enqueue_dma source(%arg12 : memref<8x16x128xf32, #tpu.memory_space<vmem>>) target(%dma_start3A_287 : memref<8x16x128xf32, #tpu.memory_space<hbm>>) target_semaphore(%arg23 : memref<!tpu.dma_semaphore, #tpu.memory_space<semaphore_mem>>)
        %dma_wait3A_288 = arith.constant 0 : i32
        %dma_wait3A_289 = arith.constant 0 : i32
        %dma_wait3A_290 = tpu.memref_slice %arg2[%add3A_47, %dma_wait3A_288, %dma_wait3A_289] : memref<8192x16x128xf32, #tpu.memory_space<hbm>> -> memref<8x16x128xf32, #tpu.memory_space<hbm>>
        %dma_wait3A_291 = arith.constant 0 : i32
        %dma_wait3A_292 = arith.constant 0 : i32
        %dma_wait3A_293 = tpu.memref_slice %arg2[%add3A_47, %dma_wait3A_291, %dma_wait3A_292] : memref<8192x16x128xf32, #tpu.memory_space<hbm>> -> memref<8x16x128xf32, #tpu.memory_space<hbm>>
        tpu.wait_dma2 semaphore(%arg20 : memref<!tpu.dma_semaphore, #tpu.memory_space<semaphore_mem>>) src(%dma_wait3A_293 : memref<8x16x128xf32, #tpu.memory_space<hbm>>) dst(%arg13 : memref<8x16x128xf32, #tpu.memory_space<vmem>>)
        %mul3A_294 = arith.constant 4 : i32
        %mul3A_295 = arith.muli %scan3A_173, %mul3A_294 : i32
        %add3A_296 = arith.constant 2 : i32
        %add3A_297 = arith.addi %mul3A_295, %add3A_296 : i32
        %mul3A_298 = arith.constant 8 : i32
        %mul3A_299 = arith.muli %add3A_297, %mul3A_298 : i32
        %add3A_300 = arith.addi %add3A_52, %mul3A_299 : i32
        %dma_start3A_301 = arith.constant 0 : i32
        %dma_start3A_302 = arith.constant 0 : i32
        %dma_start3A_303 = tpu.memref_slice %arg8[%add3A_300, %dma_start3A_301, %dma_start3A_302] : memref<8224x16x128xf32, #tpu.memory_space<hbm>> -> memref<8x16x128xf32, #tpu.memory_space<hbm>>
        %dma_start3A_304 = arith.constant 0 : i32
        %dma_start3A_305 = arith.constant 0 : i32
        %dma_start3A_306 = tpu.memref_slice %arg8[%add3A_300, %dma_start3A_304, %dma_start3A_305] : memref<8224x16x128xf32, #tpu.memory_space<hbm>> -> memref<8x16x128xf32, #tpu.memory_space<hbm>>
        tpu.enqueue_dma source(%arg13 : memref<8x16x128xf32, #tpu.memory_space<vmem>>) target(%dma_start3A_306 : memref<8x16x128xf32, #tpu.memory_space<hbm>>) target_semaphore(%arg24 : memref<!tpu.dma_semaphore, #tpu.memory_space<semaphore_mem>>)
        %dma_wait3A_307 = arith.constant 0 : i32
        %dma_wait3A_308 = arith.constant 0 : i32
        %dma_wait3A_309 = tpu.memref_slice %arg2[%add3A_47, %dma_wait3A_307, %dma_wait3A_308] : memref<8192x16x128xf32, #tpu.memory_space<hbm>> -> memref<8x16x128xf32, #tpu.memory_space<hbm>>
        %dma_wait3A_310 = arith.constant 0 : i32
        %dma_wait3A_311 = arith.constant 0 : i32
        %dma_wait3A_312 = tpu.memref_slice %arg2[%add3A_47, %dma_wait3A_310, %dma_wait3A_311] : memref<8192x16x128xf32, #tpu.memory_space<hbm>> -> memref<8x16x128xf32, #tpu.memory_space<hbm>>
        tpu.wait_dma2 semaphore(%arg21 : memref<!tpu.dma_semaphore, #tpu.memory_space<semaphore_mem>>) src(%dma_wait3A_312 : memref<8x16x128xf32, #tpu.memory_space<hbm>>) dst(%arg14 : memref<8x16x128xf32, #tpu.memory_space<vmem>>)
        %mul3A_313 = arith.constant 4 : i32
        %mul3A_314 = arith.muli %scan3A_173, %mul3A_313 : i32
        %add3A_315 = arith.constant 3 : i32
        %add3A_316 = arith.addi %mul3A_314, %add3A_315 : i32
        %mul3A_317 = arith.constant 8 : i32
        %mul3A_318 = arith.muli %add3A_316, %mul3A_317 : i32
        %add3A_319 = arith.addi %add3A_52, %mul3A_318 : i32
        %dma_start3A_320 = arith.constant 0 : i32
        %dma_start3A_321 = arith.constant 0 : i32
        %dma_start3A_322 = tpu.memref_slice %arg8[%add3A_319, %dma_start3A_320, %dma_start3A_321] : memref<8224x16x128xf32, #tpu.memory_space<hbm>> -> memref<8x16x128xf32, #tpu.memory_space<hbm>>
        %dma_start3A_323 = arith.constant 0 : i32
        %dma_start3A_324 = arith.constant 0 : i32
        %dma_start3A_325 = tpu.memref_slice %arg8[%add3A_319, %dma_start3A_323, %dma_start3A_324] : memref<8224x16x128xf32, #tpu.memory_space<hbm>> -> memref<8x16x128xf32, #tpu.memory_space<hbm>>
        tpu.enqueue_dma source(%arg14 : memref<8x16x128xf32, #tpu.memory_space<vmem>>) target(%dma_start3A_325 : memref<8x16x128xf32, #tpu.memory_space<hbm>>) target_semaphore(%arg25 : memref<!tpu.dma_semaphore, #tpu.memory_space<semaphore_mem>>)
      }
      %scan3A_143 = arith.constant 15 : i32
      %dma_wait3A_144 = arith.constant 0 : i32
      %dma_wait3A_145 = arith.constant 0 : i32
      %dma_wait3A_146 = tpu.memref_slice %arg8[%add3A_52, %dma_wait3A_144, %dma_wait3A_145] : memref<8224x16x128xf32, #tpu.memory_space<hbm>> -> memref<8x16x128xf32, #tpu.memory_space<hbm>>
      %dma_wait3A_147 = arith.constant 0 : i32
      %dma_wait3A_148 = arith.constant 0 : i32
      %dma_wait3A_149 = tpu.memref_slice %arg8[%add3A_52, %dma_wait3A_147, %dma_wait3A_148] : memref<8224x16x128xf32, #tpu.memory_space<hbm>> -> memref<8x16x128xf32, #tpu.memory_space<hbm>>
      tpu.wait_dma2 semaphore(%arg22 : memref<!tpu.dma_semaphore, #tpu.memory_space<semaphore_mem>>) src(%arg11 : memref<8x16x128xf32, #tpu.memory_space<vmem>>) dst(%dma_wait3A_149 : memref<8x16x128xf32, #tpu.memory_space<hbm>>)
      %dma_wait3A_150 = arith.constant 0 : i32
      %dma_wait3A_151 = arith.constant 0 : i32
      %dma_wait3A_152 = tpu.memref_slice %arg8[%add3A_52, %dma_wait3A_150, %dma_wait3A_151] : memref<8224x16x128xf32, #tpu.memory_space<hbm>> -> memref<8x16x128xf32, #tpu.memory_space<hbm>>
      %dma_wait3A_153 = arith.constant 0 : i32
      %dma_wait3A_154 = arith.constant 0 : i32
      %dma_wait3A_155 = tpu.memref_slice %arg8[%add3A_52, %dma_wait3A_153, %dma_wait3A_154] : memref<8224x16x128xf32, #tpu.memory_space<hbm>> -> memref<8x16x128xf32, #tpu.memory_space<hbm>>
      tpu.wait_dma2 semaphore(%arg23 : memref<!tpu.dma_semaphore, #tpu.memory_space<semaphore_mem>>) src(%arg12 : memref<8x16x128xf32, #tpu.memory_space<vmem>>) dst(%dma_wait3A_155 : memref<8x16x128xf32, #tpu.memory_space<hbm>>)
      %dma_wait3A_156 = arith.constant 0 : i32
      %dma_wait3A_157 = arith.constant 0 : i32
      %dma_wait3A_158 = tpu.memref_slice %arg8[%add3A_52, %dma_wait3A_156, %dma_wait3A_157] : memref<8224x16x128xf32, #tpu.memory_space<hbm>> -> memref<8x16x128xf32, #tpu.memory_space<hbm>>
      %dma_wait3A_159 = arith.constant 0 : i32
      %dma_wait3A_160 = arith.constant 0 : i32
      %dma_wait3A_161 = tpu.memref_slice %arg8[%add3A_52, %dma_wait3A_159, %dma_wait3A_160] : memref<8224x16x128xf32, #tpu.memory_space<hbm>> -> memref<8x16x128xf32, #tpu.memory_space<hbm>>
      tpu.wait_dma2 semaphore(%arg24 : memref<!tpu.dma_semaphore, #tpu.memory_space<semaphore_mem>>) src(%arg13 : memref<8x16x128xf32, #tpu.memory_space<vmem>>) dst(%dma_wait3A_161 : memref<8x16x128xf32, #tpu.memory_space<hbm>>)
      %dma_wait3A_162 = arith.constant 0 : i32
      %dma_wait3A_163 = arith.constant 0 : i32
      %dma_wait3A_164 = tpu.memref_slice %arg8[%add3A_52, %dma_wait3A_162, %dma_wait3A_163] : memref<8224x16x128xf32, #tpu.memory_space<hbm>> -> memref<8x16x128xf32, #tpu.memory_space<hbm>>
      %dma_wait3A_165 = arith.constant 0 : i32
      %dma_wait3A_166 = arith.constant 0 : i32
      %dma_wait3A_167 = tpu.memref_slice %arg8[%add3A_52, %dma_wait3A_165, %dma_wait3A_166] : memref<8224x16x128xf32, #tpu.memory_space<hbm>> -> memref<8x16x128xf32, #tpu.memory_space<hbm>>
      tpu.wait_dma2 semaphore(%arg25 : memref<!tpu.dma_semaphore, #tpu.memory_space<semaphore_mem>>) src(%arg14 : memref<8x16x128xf32, #tpu.memory_space<vmem>>) dst(%dma_wait3A_167 : memref<8x16x128xf32, #tpu.memory_space<hbm>>)
      %eq3A_168 = arith.constant 1 : i32
      %eq3A_169 = arith.cmpi eq, %select_n3A_42, %eq3A_168 : i32
      %convert_element_type3A_170 = arith.extui %eq3A_169 : i1 to i32
      %cond3A_171 = arith.constant 0 : i32
      %cond3A_172 = arith.cmpi ne, %convert_element_type3A_170, %cond3A_171 : i32
      scf.if %cond3A_172 {
        %mul3A_173 = arith.constant 4 : i32
        %mul3A_174 = arith.muli %select_n3A, %mul3A_173 : i32
        "tpu.region"() ({
          %run_scoped3A = tpu.sem_alloc : memref<!tpu.dma_semaphore, #tpu.memory_space<semaphore_mem>>
          %dma_start3A_179 = arith.constant 0 : i32
          %dma_start3A_180 = arith.constant 0 : i32
          %dma_start3A_181 = arith.constant 0 : i32
          %dma_start3A_182 = tpu.memref_slice %arg11[%dma_start3A_179, %dma_start3A_180, %dma_start3A_181] : memref<8x16x128xf32, #tpu.memory_space<vmem>> -> memref<4x16x128xf32, #tpu.memory_space<vmem>>
          %dma_start3A_183 = arith.constant 0 : i32
          %dma_start3A_184 = arith.constant 0 : i32
          %dma_start3A_185 = tpu.memref_slice %arg5[%mul3A_174, %dma_start3A_183, %dma_start3A_184] : memref<32x16x128xf32, #tpu.memory_space<hbm>> -> memref<4x16x128xf32, #tpu.memory_space<hbm>>
          %dma_start3A_186 = arith.constant 0 : i32
          %dma_start3A_187 = arith.constant 0 : i32
          %dma_start3A_188 = arith.constant 0 : i32
          %dma_start3A_189 = tpu.memref_slice %arg11[%dma_start3A_186, %dma_start3A_187, %dma_start3A_188] : memref<8x16x128xf32, #tpu.memory_space<vmem>> -> memref<4x16x128xf32, #tpu.memory_space<vmem>>
          %dma_start3A_190 = arith.constant 0 : i32
          %dma_start3A_191 = arith.constant 0 : i32
          %dma_start3A_192 = tpu.memref_slice %arg5[%mul3A_174, %dma_start3A_190, %dma_start3A_191] : memref<32x16x128xf32, #tpu.memory_space<hbm>> -> memref<4x16x128xf32, #tpu.memory_space<hbm>>
          tpu.enqueue_dma source(%dma_start3A_192 : memref<4x16x128xf32, #tpu.memory_space<hbm>>) target(%dma_start3A_189 : memref<4x16x128xf32, #tpu.memory_space<vmem>>) target_semaphore(%run_scoped3A : memref<!tpu.dma_semaphore, #tpu.memory_space<semaphore_mem>>)
          %dma_wait3A_193 = arith.constant 0 : i32
          %dma_wait3A_194 = arith.constant 0 : i32
          %dma_wait3A_195 = arith.constant 0 : i32
          %dma_wait3A_196 = tpu.memref_slice %arg11[%dma_wait3A_193, %dma_wait3A_194, %dma_wait3A_195] : memref<8x16x128xf32, #tpu.memory_space<vmem>> -> memref<4x16x128xf32, #tpu.memory_space<vmem>>
          %dma_wait3A_197 = arith.constant 0 : i32
          %dma_wait3A_198 = arith.constant 0 : i32
          %dma_wait3A_199 = tpu.memref_slice %arg5[%mul3A_174, %dma_wait3A_197, %dma_wait3A_198] : memref<32x16x128xf32, #tpu.memory_space<hbm>> -> memref<4x16x128xf32, #tpu.memory_space<hbm>>
          %dma_wait3A_200 = arith.constant 0 : i32
          %dma_wait3A_201 = arith.constant 0 : i32
          %dma_wait3A_202 = arith.constant 0 : i32
          %dma_wait3A_203 = tpu.memref_slice %arg11[%dma_wait3A_200, %dma_wait3A_201, %dma_wait3A_202] : memref<8x16x128xf32, #tpu.memory_space<vmem>> -> memref<4x16x128xf32, #tpu.memory_space<vmem>>
          %dma_wait3A_204 = arith.constant 0 : i32
          %dma_wait3A_205 = arith.constant 0 : i32
          %dma_wait3A_206 = tpu.memref_slice %arg5[%mul3A_174, %dma_wait3A_204, %dma_wait3A_205] : memref<32x16x128xf32, #tpu.memory_space<hbm>> -> memref<4x16x128xf32, #tpu.memory_space<hbm>>
          tpu.wait_dma2 semaphore(%run_scoped3A : memref<!tpu.dma_semaphore, #tpu.memory_space<semaphore_mem>>) src(%dma_wait3A_206 : memref<4x16x128xf32, #tpu.memory_space<hbm>>) dst(%dma_wait3A_203 : memref<4x16x128xf32, #tpu.memory_space<vmem>>)
          tpu.yield
        }) : () -> ()
        %mul3A_175 = arith.constant 1028 : i32
        %mul3A_176 = arith.muli %select_n3A, %mul3A_175 : i32
        %add3A_177 = arith.constant 1024 : i32
        %add3A_178 = arith.addi %mul3A_176, %add3A_177 : i32
        "tpu.region"() ({
          %run_scoped3A = tpu.sem_alloc : memref<!tpu.dma_semaphore, #tpu.memory_space<semaphore_mem>>
          %dma_start3A_179 = arith.constant 0 : i32
          %dma_start3A_180 = arith.constant 0 : i32
          %dma_start3A_181 = arith.constant 0 : i32
          %dma_start3A_182 = tpu.memref_slice %arg11[%dma_start3A_179, %dma_start3A_180, %dma_start3A_181] : memref<8x16x128xf32, #tpu.memory_space<vmem>> -> memref<4x16x128xf32, #tpu.memory_space<vmem>>
          %dma_start3A_183 = arith.constant 0 : i32
          %dma_start3A_184 = arith.constant 0 : i32
          %dma_start3A_185 = tpu.memref_slice %arg8[%add3A_178, %dma_start3A_183, %dma_start3A_184] : memref<8224x16x128xf32, #tpu.memory_space<hbm>> -> memref<4x16x128xf32, #tpu.memory_space<hbm>>
          %dma_start3A_186 = arith.constant 0 : i32
          %dma_start3A_187 = arith.constant 0 : i32
          %dma_start3A_188 = tpu.memref_slice %arg8[%add3A_178, %dma_start3A_186, %dma_start3A_187] : memref<8224x16x128xf32, #tpu.memory_space<hbm>> -> memref<4x16x128xf32, #tpu.memory_space<hbm>>
          %dma_start3A_189 = arith.constant 0 : i32
          %dma_start3A_190 = arith.constant 0 : i32
          %dma_start3A_191 = arith.constant 0 : i32
          %dma_start3A_192 = tpu.memref_slice %arg11[%dma_start3A_189, %dma_start3A_190, %dma_start3A_191] : memref<8x16x128xf32, #tpu.memory_space<vmem>> -> memref<4x16x128xf32, #tpu.memory_space<vmem>>
          tpu.enqueue_dma source(%dma_start3A_192 : memref<4x16x128xf32, #tpu.memory_space<vmem>>) target(%dma_start3A_188 : memref<4x16x128xf32, #tpu.memory_space<hbm>>) target_semaphore(%run_scoped3A : memref<!tpu.dma_semaphore, #tpu.memory_space<semaphore_mem>>)
          %dma_wait3A_193 = arith.constant 0 : i32
          %dma_wait3A_194 = arith.constant 0 : i32
          %dma_wait3A_195 = arith.constant 0 : i32
          %dma_wait3A_196 = tpu.memref_slice %arg11[%dma_wait3A_193, %dma_wait3A_194, %dma_wait3A_195] : memref<8x16x128xf32, #tpu.memory_space<vmem>> -> memref<4x16x128xf32, #tpu.memory_space<vmem>>
          %dma_wait3A_197 = arith.constant 0 : i32
          %dma_wait3A_198 = arith.constant 0 : i32
          %dma_wait3A_199 = tpu.memref_slice %arg8[%add3A_178, %dma_wait3A_197, %dma_wait3A_198] : memref<8224x16x128xf32, #tpu.memory_space<hbm>> -> memref<4x16x128xf32, #tpu.memory_space<hbm>>
          %dma_wait3A_200 = arith.constant 0 : i32
          %dma_wait3A_201 = arith.constant 0 : i32
          %dma_wait3A_202 = tpu.memref_slice %arg8[%add3A_178, %dma_wait3A_200, %dma_wait3A_201] : memref<8224x16x128xf32, #tpu.memory_space<hbm>> -> memref<4x16x128xf32, #tpu.memory_space<hbm>>
          %dma_wait3A_203 = arith.constant 0 : i32
          %dma_wait3A_204 = arith.constant 0 : i32
          %dma_wait3A_205 = arith.constant 0 : i32
          %dma_wait3A_206 = tpu.memref_slice %arg11[%dma_wait3A_203, %dma_wait3A_204, %dma_wait3A_205] : memref<8x16x128xf32, #tpu.memory_space<vmem>> -> memref<4x16x128xf32, #tpu.memory_space<vmem>>
          tpu.wait_dma2 semaphore(%run_scoped3A : memref<!tpu.dma_semaphore, #tpu.memory_space<semaphore_mem>>) src(%dma_wait3A_206 : memref<4x16x128xf32, #tpu.memory_space<vmem>>) dst(%dma_wait3A_202 : memref<4x16x128xf32, #tpu.memory_space<hbm>>)
          tpu.yield
        }) : () -> ()
      } else {
      }
    } else {
    }
    %ge3A = arith.constant 16 : i32
    %ge3A_3 = arith.cmpi sge, %add3A, %ge3A : i32
    %convert_element_type3A_4 = arith.extui %ge3A_3 : i1 to i32
    %cond3A_5 = arith.constant 0 : i32
    %cond3A_6 = arith.cmpi ne, %convert_element_type3A_4, %cond3A_5 : i32
    scf.if %cond3A_6 {
      %sub3A = arith.constant 16 : i32
      %sub3A_11 = arith.subi %add3A, %sub3A : i32
      %jit3A = arith.constant 2 : i32
      %div3A = arith.divsi %sub3A_11, %jit3A : i32
      %sign3A = arith.constant 0 : i32
      %sign3A_12 = arith.cmpi sgt, %sub3A_11, %sign3A : i32
      %sign3A_13 = arith.extui %sign3A_12 : i1 to i32
      %sign3A_14 = arith.constant 0 : i32
      %sign3A_15 = arith.cmpi slt, %sub3A_11, %sign3A_14 : i32
      %sign3A_16 = arith.extui %sign3A_15 : i1 to i32
      %sign3A_17 = arith.subi %sign3A_13, %sign3A_16 : i32
      %sign3A_18 = arith.constant 0 : i32
      %sign3A_19 = arith.cmpi sgt, %jit3A, %sign3A_18 : i32
      %sign3A_20 = arith.extui %sign3A_19 : i1 to i32
      %sign3A_21 = arith.constant 0 : i32
      %sign3A_22 = arith.cmpi slt, %jit3A, %sign3A_21 : i32
      %sign3A_23 = arith.extui %sign3A_22 : i1 to i32
      %sign3A_24 = arith.subi %sign3A_20, %sign3A_23 : i32
      %ne3A = arith.cmpi ne, %sign3A_17, %sign3A_24 : i32
      %rem3A = arith.remsi %sub3A_11, %jit3A : i32
      %ne3A_25 = arith.constant 0 : i32
      %ne3A_26 = arith.cmpi ne, %rem3A, %ne3A_25 : i32
      %and3A = arith.andi %ne3A, %ne3A_26 : i1
      %sub3A_27 = arith.constant 1 : i32
      %sub3A_28 = arith.subi %div3A, %sub3A_27 : i32
      %select_n3A = arith.select %and3A, %sub3A_28, %div3A : i32
      %jit3A_29 = arith.constant 2 : i32
      %eq3A_30 = arith.constant 0 : i32
      %eq3A_31 = arith.cmpi eq, %jit3A_29, %eq3A_30 : i32
      %jit3A_32 = arith.constant 1 : i32
      %select_n3A_33 = arith.select %eq3A_31, %jit3A_32, %jit3A_29 : i32
      %rem3A_34 = arith.remsi %sub3A_11, %select_n3A_33 : i32
      %ne3A_35 = arith.constant 0 : i32
      %ne3A_36 = arith.cmpi ne, %rem3A_34, %ne3A_35 : i32
      %lt3A_37 = arith.constant 0 : i32
      %lt3A_38 = arith.cmpi slt, %rem3A_34, %lt3A_37 : i32
      %lt3A_39 = arith.constant 0 : i32
      %lt3A_40 = arith.cmpi slt, %select_n3A_33, %lt3A_39 : i32
      %ne3A_41 = arith.xori %lt3A_38, %lt3A_40 : i1
      %and3A_42 = arith.andi %ne3A_41, %ne3A_36 : i1
      %add3A_43 = arith.addi %rem3A_34, %select_n3A_33 : i32
      %select_n3A_44 = arith.select %and3A_42, %add3A_43, %rem3A_34 : i32
      %mul3A_45 = arith.constant 1024 : i32
      %mul3A_46 = arith.muli %select_n3A, %mul3A_45 : i32
      %mul3A_47 = arith.constant 512 : i32
      %mul3A_48 = arith.muli %select_n3A_44, %mul3A_47 : i32
      %add3A_49 = arith.addi %mul3A_46, %mul3A_48 : i32
      %mul3A_50 = arith.constant 1028 : i32
      %mul3A_51 = arith.muli %select_n3A, %mul3A_50 : i32
      %mul3A_52 = arith.constant 512 : i32
      %mul3A_53 = arith.muli %select_n3A_44, %mul3A_52 : i32
      %add3A_54 = arith.addi %mul3A_51, %mul3A_53 : i32
      %add3A_55 = arith.constant 0 : i32
      %add3A_56 = arith.addi %add3A_49, %add3A_55 : i32
      %dma_start3A = arith.constant 0 : i32
      %dma_start3A_57 = arith.constant 0 : i32
      %dma_start3A_58 = tpu.memref_slice %arg3[%add3A_56, %dma_start3A, %dma_start3A_57] : memref<8192x16x128xf32, #tpu.memory_space<hbm>> -> memref<8x16x128xf32, #tpu.memory_space<hbm>>
      %dma_start3A_59 = arith.constant 0 : i32
      %dma_start3A_60 = arith.constant 0 : i32
      %dma_start3A_61 = tpu.memref_slice %arg3[%add3A_56, %dma_start3A_59, %dma_start3A_60] : memref<8192x16x128xf32, #tpu.memory_space<hbm>> -> memref<8x16x128xf32, #tpu.memory_space<hbm>>
      tpu.enqueue_dma source(%dma_start3A_61 : memref<8x16x128xf32, #tpu.memory_space<hbm>>) target(%arg11 : memref<8x16x128xf32, #tpu.memory_space<vmem>>) target_semaphore(%arg18 : memref<!tpu.dma_semaphore, #tpu.memory_space<semaphore_mem>>)
      %add3A_62 = arith.constant 8 : i32
      %add3A_63 = arith.addi %add3A_49, %add3A_62 : i32
      %dma_start3A_64 = arith.constant 0 : i32
      %dma_start3A_65 = arith.constant 0 : i32
      %dma_start3A_66 = tpu.memref_slice %arg3[%add3A_63, %dma_start3A_64, %dma_start3A_65] : memref<8192x16x128xf32, #tpu.memory_space<hbm>> -> memref<8x16x128xf32, #tpu.memory_space<hbm>>
      %dma_start3A_67 = arith.constant 0 : i32
      %dma_start3A_68 = arith.constant 0 : i32
      %dma_start3A_69 = tpu.memref_slice %arg3[%add3A_63, %dma_start3A_67, %dma_start3A_68] : memref<8192x16x128xf32, #tpu.memory_space<hbm>> -> memref<8x16x128xf32, #tpu.memory_space<hbm>>
      tpu.enqueue_dma source(%dma_start3A_69 : memref<8x16x128xf32, #tpu.memory_space<hbm>>) target(%arg12 : memref<8x16x128xf32, #tpu.memory_space<vmem>>) target_semaphore(%arg19 : memref<!tpu.dma_semaphore, #tpu.memory_space<semaphore_mem>>)
      %add3A_70 = arith.constant 16 : i32
      %add3A_71 = arith.addi %add3A_49, %add3A_70 : i32
      %dma_start3A_72 = arith.constant 0 : i32
      %dma_start3A_73 = arith.constant 0 : i32
      %dma_start3A_74 = tpu.memref_slice %arg3[%add3A_71, %dma_start3A_72, %dma_start3A_73] : memref<8192x16x128xf32, #tpu.memory_space<hbm>> -> memref<8x16x128xf32, #tpu.memory_space<hbm>>
      %dma_start3A_75 = arith.constant 0 : i32
      %dma_start3A_76 = arith.constant 0 : i32
      %dma_start3A_77 = tpu.memref_slice %arg3[%add3A_71, %dma_start3A_75, %dma_start3A_76] : memref<8192x16x128xf32, #tpu.memory_space<hbm>> -> memref<8x16x128xf32, #tpu.memory_space<hbm>>
      tpu.enqueue_dma source(%dma_start3A_77 : memref<8x16x128xf32, #tpu.memory_space<hbm>>) target(%arg13 : memref<8x16x128xf32, #tpu.memory_space<vmem>>) target_semaphore(%arg20 : memref<!tpu.dma_semaphore, #tpu.memory_space<semaphore_mem>>)
      %add3A_78 = arith.constant 24 : i32
      %add3A_79 = arith.addi %add3A_49, %add3A_78 : i32
      %dma_start3A_80 = arith.constant 0 : i32
      %dma_start3A_81 = arith.constant 0 : i32
      %dma_start3A_82 = tpu.memref_slice %arg3[%add3A_79, %dma_start3A_80, %dma_start3A_81] : memref<8192x16x128xf32, #tpu.memory_space<hbm>> -> memref<8x16x128xf32, #tpu.memory_space<hbm>>
      %dma_start3A_83 = arith.constant 0 : i32
      %dma_start3A_84 = arith.constant 0 : i32
      %dma_start3A_85 = tpu.memref_slice %arg3[%add3A_79, %dma_start3A_83, %dma_start3A_84] : memref<8192x16x128xf32, #tpu.memory_space<hbm>> -> memref<8x16x128xf32, #tpu.memory_space<hbm>>
      tpu.enqueue_dma source(%dma_start3A_85 : memref<8x16x128xf32, #tpu.memory_space<hbm>>) target(%arg14 : memref<8x16x128xf32, #tpu.memory_space<vmem>>) target_semaphore(%arg21 : memref<!tpu.dma_semaphore, #tpu.memory_space<semaphore_mem>>)
      %dma_wait3A = arith.constant 0 : i32
      %dma_wait3A_86 = arith.constant 0 : i32
      %dma_wait3A_87 = tpu.memref_slice %arg3[%add3A_49, %dma_wait3A, %dma_wait3A_86] : memref<8192x16x128xf32, #tpu.memory_space<hbm>> -> memref<8x16x128xf32, #tpu.memory_space<hbm>>
      %dma_wait3A_88 = arith.constant 0 : i32
      %dma_wait3A_89 = arith.constant 0 : i32
      %dma_wait3A_90 = tpu.memref_slice %arg3[%add3A_49, %dma_wait3A_88, %dma_wait3A_89] : memref<8192x16x128xf32, #tpu.memory_space<hbm>> -> memref<8x16x128xf32, #tpu.memory_space<hbm>>
      tpu.wait_dma2 semaphore(%arg18 : memref<!tpu.dma_semaphore, #tpu.memory_space<semaphore_mem>>) src(%dma_wait3A_90 : memref<8x16x128xf32, #tpu.memory_space<hbm>>) dst(%arg11 : memref<8x16x128xf32, #tpu.memory_space<vmem>>)
      %add3A_91 = arith.constant 0 : i32
      %add3A_92 = arith.addi %add3A_54, %add3A_91 : i32
      %dma_start3A_93 = arith.constant 0 : i32
      %dma_start3A_94 = arith.constant 0 : i32
      %dma_start3A_95 = tpu.memref_slice %arg9[%add3A_92, %dma_start3A_93, %dma_start3A_94] : memref<8224x16x128xf32, #tpu.memory_space<hbm>> -> memref<8x16x128xf32, #tpu.memory_space<hbm>>
      %dma_start3A_96 = arith.constant 0 : i32
      %dma_start3A_97 = arith.constant 0 : i32
      %dma_start3A_98 = tpu.memref_slice %arg9[%add3A_92, %dma_start3A_96, %dma_start3A_97] : memref<8224x16x128xf32, #tpu.memory_space<hbm>> -> memref<8x16x128xf32, #tpu.memory_space<hbm>>
      tpu.enqueue_dma source(%arg11 : memref<8x16x128xf32, #tpu.memory_space<vmem>>) target(%dma_start3A_98 : memref<8x16x128xf32, #tpu.memory_space<hbm>>) target_semaphore(%arg22 : memref<!tpu.dma_semaphore, #tpu.memory_space<semaphore_mem>>)
      %dma_wait3A_99 = arith.constant 0 : i32
      %dma_wait3A_100 = arith.constant 0 : i32
      %dma_wait3A_101 = tpu.memref_slice %arg3[%add3A_49, %dma_wait3A_99, %dma_wait3A_100] : memref<8192x16x128xf32, #tpu.memory_space<hbm>> -> memref<8x16x128xf32, #tpu.memory_space<hbm>>
      %dma_wait3A_102 = arith.constant 0 : i32
      %dma_wait3A_103 = arith.constant 0 : i32
      %dma_wait3A_104 = tpu.memref_slice %arg3[%add3A_49, %dma_wait3A_102, %dma_wait3A_103] : memref<8192x16x128xf32, #tpu.memory_space<hbm>> -> memref<8x16x128xf32, #tpu.memory_space<hbm>>
      tpu.wait_dma2 semaphore(%arg19 : memref<!tpu.dma_semaphore, #tpu.memory_space<semaphore_mem>>) src(%dma_wait3A_104 : memref<8x16x128xf32, #tpu.memory_space<hbm>>) dst(%arg12 : memref<8x16x128xf32, #tpu.memory_space<vmem>>)
      %add3A_105 = arith.constant 8 : i32
      %add3A_106 = arith.addi %add3A_54, %add3A_105 : i32
      %dma_start3A_107 = arith.constant 0 : i32
      %dma_start3A_108 = arith.constant 0 : i32
      %dma_start3A_109 = tpu.memref_slice %arg9[%add3A_106, %dma_start3A_107, %dma_start3A_108] : memref<8224x16x128xf32, #tpu.memory_space<hbm>> -> memref<8x16x128xf32, #tpu.memory_space<hbm>>
      %dma_start3A_110 = arith.constant 0 : i32
      %dma_start3A_111 = arith.constant 0 : i32
      %dma_start3A_112 = tpu.memref_slice %arg9[%add3A_106, %dma_start3A_110, %dma_start3A_111] : memref<8224x16x128xf32, #tpu.memory_space<hbm>> -> memref<8x16x128xf32, #tpu.memory_space<hbm>>
      tpu.enqueue_dma source(%arg12 : memref<8x16x128xf32, #tpu.memory_space<vmem>>) target(%dma_start3A_112 : memref<8x16x128xf32, #tpu.memory_space<hbm>>) target_semaphore(%arg23 : memref<!tpu.dma_semaphore, #tpu.memory_space<semaphore_mem>>)
      %dma_wait3A_113 = arith.constant 0 : i32
      %dma_wait3A_114 = arith.constant 0 : i32
      %dma_wait3A_115 = tpu.memref_slice %arg3[%add3A_49, %dma_wait3A_113, %dma_wait3A_114] : memref<8192x16x128xf32, #tpu.memory_space<hbm>> -> memref<8x16x128xf32, #tpu.memory_space<hbm>>
      %dma_wait3A_116 = arith.constant 0 : i32
      %dma_wait3A_117 = arith.constant 0 : i32
      %dma_wait3A_118 = tpu.memref_slice %arg3[%add3A_49, %dma_wait3A_116, %dma_wait3A_117] : memref<8192x16x128xf32, #tpu.memory_space<hbm>> -> memref<8x16x128xf32, #tpu.memory_space<hbm>>
      tpu.wait_dma2 semaphore(%arg20 : memref<!tpu.dma_semaphore, #tpu.memory_space<semaphore_mem>>) src(%dma_wait3A_118 : memref<8x16x128xf32, #tpu.memory_space<hbm>>) dst(%arg13 : memref<8x16x128xf32, #tpu.memory_space<vmem>>)
      %add3A_119 = arith.constant 16 : i32
      %add3A_120 = arith.addi %add3A_54, %add3A_119 : i32
      %dma_start3A_121 = arith.constant 0 : i32
      %dma_start3A_122 = arith.constant 0 : i32
      %dma_start3A_123 = tpu.memref_slice %arg9[%add3A_120, %dma_start3A_121, %dma_start3A_122] : memref<8224x16x128xf32, #tpu.memory_space<hbm>> -> memref<8x16x128xf32, #tpu.memory_space<hbm>>
      %dma_start3A_124 = arith.constant 0 : i32
      %dma_start3A_125 = arith.constant 0 : i32
      %dma_start3A_126 = tpu.memref_slice %arg9[%add3A_120, %dma_start3A_124, %dma_start3A_125] : memref<8224x16x128xf32, #tpu.memory_space<hbm>> -> memref<8x16x128xf32, #tpu.memory_space<hbm>>
      tpu.enqueue_dma source(%arg13 : memref<8x16x128xf32, #tpu.memory_space<vmem>>) target(%dma_start3A_126 : memref<8x16x128xf32, #tpu.memory_space<hbm>>) target_semaphore(%arg24 : memref<!tpu.dma_semaphore, #tpu.memory_space<semaphore_mem>>)
      %dma_wait3A_127 = arith.constant 0 : i32
      %dma_wait3A_128 = arith.constant 0 : i32
      %dma_wait3A_129 = tpu.memref_slice %arg3[%add3A_49, %dma_wait3A_127, %dma_wait3A_128] : memref<8192x16x128xf32, #tpu.memory_space<hbm>> -> memref<8x16x128xf32, #tpu.memory_space<hbm>>
      %dma_wait3A_130 = arith.constant 0 : i32
      %dma_wait3A_131 = arith.constant 0 : i32
      %dma_wait3A_132 = tpu.memref_slice %arg3[%add3A_49, %dma_wait3A_130, %dma_wait3A_131] : memref<8192x16x128xf32, #tpu.memory_space<hbm>> -> memref<8x16x128xf32, #tpu.memory_space<hbm>>
      tpu.wait_dma2 semaphore(%arg21 : memref<!tpu.dma_semaphore, #tpu.memory_space<semaphore_mem>>) src(%dma_wait3A_132 : memref<8x16x128xf32, #tpu.memory_space<hbm>>) dst(%arg14 : memref<8x16x128xf32, #tpu.memory_space<vmem>>)
      %add3A_133 = arith.constant 24 : i32
      %add3A_134 = arith.addi %add3A_54, %add3A_133 : i32
      %dma_start3A_135 = arith.constant 0 : i32
      %dma_start3A_136 = arith.constant 0 : i32
      %dma_start3A_137 = tpu.memref_slice %arg9[%add3A_134, %dma_start3A_135, %dma_start3A_136] : memref<8224x16x128xf32, #tpu.memory_space<hbm>> -> memref<8x16x128xf32, #tpu.memory_space<hbm>>
      %dma_start3A_138 = arith.constant 0 : i32
      %dma_start3A_139 = arith.constant 0 : i32
      %dma_start3A_140 = tpu.memref_slice %arg9[%add3A_134, %dma_start3A_138, %dma_start3A_139] : memref<8224x16x128xf32, #tpu.memory_space<hbm>> -> memref<8x16x128xf32, #tpu.memory_space<hbm>>
      tpu.enqueue_dma source(%arg14 : memref<8x16x128xf32, #tpu.memory_space<vmem>>) target(%dma_start3A_140 : memref<8x16x128xf32, #tpu.memory_space<hbm>>) target_semaphore(%arg25 : memref<!tpu.dma_semaphore, #tpu.memory_space<semaphore_mem>>)
      %scan3A = arith.constant 0 : i32
      %scan3A_141 = arith.constant 1 : i32
      %scan3A_142 = arith.constant 15 : i32
      %scan3A_143 = arith.addi %scan3A_141, %scan3A_142 : i32
      %scan3A_144 = arith.constant 1 : i32
      scf.for %scan3A_175 = %scan3A_141 to %scan3A_143 step %scan3A_144  : i32 {
        %dma_wait3A_176 = arith.constant 0 : i32
        %dma_wait3A_177 = arith.constant 0 : i32
        %dma_wait3A_178 = tpu.memref_slice %arg9[%add3A_54, %dma_wait3A_176, %dma_wait3A_177] : memref<8224x16x128xf32, #tpu.memory_space<hbm>> -> memref<8x16x128xf32, #tpu.memory_space<hbm>>
        %dma_wait3A_179 = arith.constant 0 : i32
        %dma_wait3A_180 = arith.constant 0 : i32
        %dma_wait3A_181 = tpu.memref_slice %arg9[%add3A_54, %dma_wait3A_179, %dma_wait3A_180] : memref<8224x16x128xf32, #tpu.memory_space<hbm>> -> memref<8x16x128xf32, #tpu.memory_space<hbm>>
        tpu.wait_dma2 semaphore(%arg22 : memref<!tpu.dma_semaphore, #tpu.memory_space<semaphore_mem>>) src(%arg11 : memref<8x16x128xf32, #tpu.memory_space<vmem>>) dst(%dma_wait3A_181 : memref<8x16x128xf32, #tpu.memory_space<hbm>>)
        %mul3A_182 = arith.constant 4 : i32
        %mul3A_183 = arith.muli %scan3A_175, %mul3A_182 : i32
        %add3A_184 = arith.constant 0 : i32
        %add3A_185 = arith.addi %mul3A_183, %add3A_184 : i32
        %mul3A_186 = arith.constant 8 : i32
        %mul3A_187 = arith.muli %add3A_185, %mul3A_186 : i32
        %add3A_188 = arith.addi %add3A_49, %mul3A_187 : i32
        %dma_start3A_189 = arith.constant 0 : i32
        %dma_start3A_190 = arith.constant 0 : i32
        %dma_start3A_191 = tpu.memref_slice %arg3[%add3A_188, %dma_start3A_189, %dma_start3A_190] : memref<8192x16x128xf32, #tpu.memory_space<hbm>> -> memref<8x16x128xf32, #tpu.memory_space<hbm>>
        %dma_start3A_192 = arith.constant 0 : i32
        %dma_start3A_193 = arith.constant 0 : i32
        %dma_start3A_194 = tpu.memref_slice %arg3[%add3A_188, %dma_start3A_192, %dma_start3A_193] : memref<8192x16x128xf32, #tpu.memory_space<hbm>> -> memref<8x16x128xf32, #tpu.memory_space<hbm>>
        tpu.enqueue_dma source(%dma_start3A_194 : memref<8x16x128xf32, #tpu.memory_space<hbm>>) target(%arg11 : memref<8x16x128xf32, #tpu.memory_space<vmem>>) target_semaphore(%arg18 : memref<!tpu.dma_semaphore, #tpu.memory_space<semaphore_mem>>)
        %dma_wait3A_195 = arith.constant 0 : i32
        %dma_wait3A_196 = arith.constant 0 : i32
        %dma_wait3A_197 = tpu.memref_slice %arg9[%add3A_54, %dma_wait3A_195, %dma_wait3A_196] : memref<8224x16x128xf32, #tpu.memory_space<hbm>> -> memref<8x16x128xf32, #tpu.memory_space<hbm>>
        %dma_wait3A_198 = arith.constant 0 : i32
        %dma_wait3A_199 = arith.constant 0 : i32
        %dma_wait3A_200 = tpu.memref_slice %arg9[%add3A_54, %dma_wait3A_198, %dma_wait3A_199] : memref<8224x16x128xf32, #tpu.memory_space<hbm>> -> memref<8x16x128xf32, #tpu.memory_space<hbm>>
        tpu.wait_dma2 semaphore(%arg23 : memref<!tpu.dma_semaphore, #tpu.memory_space<semaphore_mem>>) src(%arg12 : memref<8x16x128xf32, #tpu.memory_space<vmem>>) dst(%dma_wait3A_200 : memref<8x16x128xf32, #tpu.memory_space<hbm>>)
        %mul3A_201 = arith.constant 4 : i32
        %mul3A_202 = arith.muli %scan3A_175, %mul3A_201 : i32
        %add3A_203 = arith.constant 1 : i32
        %add3A_204 = arith.addi %mul3A_202, %add3A_203 : i32
        %mul3A_205 = arith.constant 8 : i32
        %mul3A_206 = arith.muli %add3A_204, %mul3A_205 : i32
        %add3A_207 = arith.addi %add3A_49, %mul3A_206 : i32
        %dma_start3A_208 = arith.constant 0 : i32
        %dma_start3A_209 = arith.constant 0 : i32
        %dma_start3A_210 = tpu.memref_slice %arg3[%add3A_207, %dma_start3A_208, %dma_start3A_209] : memref<8192x16x128xf32, #tpu.memory_space<hbm>> -> memref<8x16x128xf32, #tpu.memory_space<hbm>>
        %dma_start3A_211 = arith.constant 0 : i32
        %dma_start3A_212 = arith.constant 0 : i32
        %dma_start3A_213 = tpu.memref_slice %arg3[%add3A_207, %dma_start3A_211, %dma_start3A_212] : memref<8192x16x128xf32, #tpu.memory_space<hbm>> -> memref<8x16x128xf32, #tpu.memory_space<hbm>>
        tpu.enqueue_dma source(%dma_start3A_213 : memref<8x16x128xf32, #tpu.memory_space<hbm>>) target(%arg12 : memref<8x16x128xf32, #tpu.memory_space<vmem>>) target_semaphore(%arg19 : memref<!tpu.dma_semaphore, #tpu.memory_space<semaphore_mem>>)
        %dma_wait3A_214 = arith.constant 0 : i32
        %dma_wait3A_215 = arith.constant 0 : i32
        %dma_wait3A_216 = tpu.memref_slice %arg9[%add3A_54, %dma_wait3A_214, %dma_wait3A_215] : memref<8224x16x128xf32, #tpu.memory_space<hbm>> -> memref<8x16x128xf32, #tpu.memory_space<hbm>>
        %dma_wait3A_217 = arith.constant 0 : i32
        %dma_wait3A_218 = arith.constant 0 : i32
        %dma_wait3A_219 = tpu.memref_slice %arg9[%add3A_54, %dma_wait3A_217, %dma_wait3A_218] : memref<8224x16x128xf32, #tpu.memory_space<hbm>> -> memref<8x16x128xf32, #tpu.memory_space<hbm>>
        tpu.wait_dma2 semaphore(%arg24 : memref<!tpu.dma_semaphore, #tpu.memory_space<semaphore_mem>>) src(%arg13 : memref<8x16x128xf32, #tpu.memory_space<vmem>>) dst(%dma_wait3A_219 : memref<8x16x128xf32, #tpu.memory_space<hbm>>)
        %mul3A_220 = arith.constant 4 : i32
        %mul3A_221 = arith.muli %scan3A_175, %mul3A_220 : i32
        %add3A_222 = arith.constant 2 : i32
        %add3A_223 = arith.addi %mul3A_221, %add3A_222 : i32
        %mul3A_224 = arith.constant 8 : i32
        %mul3A_225 = arith.muli %add3A_223, %mul3A_224 : i32
        %add3A_226 = arith.addi %add3A_49, %mul3A_225 : i32
        %dma_start3A_227 = arith.constant 0 : i32
        %dma_start3A_228 = arith.constant 0 : i32
        %dma_start3A_229 = tpu.memref_slice %arg3[%add3A_226, %dma_start3A_227, %dma_start3A_228] : memref<8192x16x128xf32, #tpu.memory_space<hbm>> -> memref<8x16x128xf32, #tpu.memory_space<hbm>>
        %dma_start3A_230 = arith.constant 0 : i32
        %dma_start3A_231 = arith.constant 0 : i32
        %dma_start3A_232 = tpu.memref_slice %arg3[%add3A_226, %dma_start3A_230, %dma_start3A_231] : memref<8192x16x128xf32, #tpu.memory_space<hbm>> -> memref<8x16x128xf32, #tpu.memory_space<hbm>>
        tpu.enqueue_dma source(%dma_start3A_232 : memref<8x16x128xf32, #tpu.memory_space<hbm>>) target(%arg13 : memref<8x16x128xf32, #tpu.memory_space<vmem>>) target_semaphore(%arg20 : memref<!tpu.dma_semaphore, #tpu.memory_space<semaphore_mem>>)
        %dma_wait3A_233 = arith.constant 0 : i32
        %dma_wait3A_234 = arith.constant 0 : i32
        %dma_wait3A_235 = tpu.memref_slice %arg9[%add3A_54, %dma_wait3A_233, %dma_wait3A_234] : memref<8224x16x128xf32, #tpu.memory_space<hbm>> -> memref<8x16x128xf32, #tpu.memory_space<hbm>>
        %dma_wait3A_236 = arith.constant 0 : i32
        %dma_wait3A_237 = arith.constant 0 : i32
        %dma_wait3A_238 = tpu.memref_slice %arg9[%add3A_54, %dma_wait3A_236, %dma_wait3A_237] : memref<8224x16x128xf32, #tpu.memory_space<hbm>> -> memref<8x16x128xf32, #tpu.memory_space<hbm>>
        tpu.wait_dma2 semaphore(%arg25 : memref<!tpu.dma_semaphore, #tpu.memory_space<semaphore_mem>>) src(%arg14 : memref<8x16x128xf32, #tpu.memory_space<vmem>>) dst(%dma_wait3A_238 : memref<8x16x128xf32, #tpu.memory_space<hbm>>)
        %mul3A_239 = arith.constant 4 : i32
        %mul3A_240 = arith.muli %scan3A_175, %mul3A_239 : i32
        %add3A_241 = arith.constant 3 : i32
        %add3A_242 = arith.addi %mul3A_240, %add3A_241 : i32
        %mul3A_243 = arith.constant 8 : i32
        %mul3A_244 = arith.muli %add3A_242, %mul3A_243 : i32
        %add3A_245 = arith.addi %add3A_49, %mul3A_244 : i32
        %dma_start3A_246 = arith.constant 0 : i32
        %dma_start3A_247 = arith.constant 0 : i32
        %dma_start3A_248 = tpu.memref_slice %arg3[%add3A_245, %dma_start3A_246, %dma_start3A_247] : memref<8192x16x128xf32, #tpu.memory_space<hbm>> -> memref<8x16x128xf32, #tpu.memory_space<hbm>>
        %dma_start3A_249 = arith.constant 0 : i32
        %dma_start3A_250 = arith.constant 0 : i32
        %dma_start3A_251 = tpu.memref_slice %arg3[%add3A_245, %dma_start3A_249, %dma_start3A_250] : memref<8192x16x128xf32, #tpu.memory_space<hbm>> -> memref<8x16x128xf32, #tpu.memory_space<hbm>>
        tpu.enqueue_dma source(%dma_start3A_251 : memref<8x16x128xf32, #tpu.memory_space<hbm>>) target(%arg14 : memref<8x16x128xf32, #tpu.memory_space<vmem>>) target_semaphore(%arg21 : memref<!tpu.dma_semaphore, #tpu.memory_space<semaphore_mem>>)
        %dma_wait3A_252 = arith.constant 0 : i32
        %dma_wait3A_253 = arith.constant 0 : i32
        %dma_wait3A_254 = tpu.memref_slice %arg3[%add3A_49, %dma_wait3A_252, %dma_wait3A_253] : memref<8192x16x128xf32, #tpu.memory_space<hbm>> -> memref<8x16x128xf32, #tpu.memory_space<hbm>>
        %dma_wait3A_255 = arith.constant 0 : i32
        %dma_wait3A_256 = arith.constant 0 : i32
        %dma_wait3A_257 = tpu.memref_slice %arg3[%add3A_49, %dma_wait3A_255, %dma_wait3A_256] : memref<8192x16x128xf32, #tpu.memory_space<hbm>> -> memref<8x16x128xf32, #tpu.memory_space<hbm>>
        tpu.wait_dma2 semaphore(%arg18 : memref<!tpu.dma_semaphore, #tpu.memory_space<semaphore_mem>>) src(%dma_wait3A_257 : memref<8x16x128xf32, #tpu.memory_space<hbm>>) dst(%arg11 : memref<8x16x128xf32, #tpu.memory_space<vmem>>)
        %mul3A_258 = arith.constant 4 : i32
        %mul3A_259 = arith.muli %scan3A_175, %mul3A_258 : i32
        %add3A_260 = arith.constant 0 : i32
        %add3A_261 = arith.addi %mul3A_259, %add3A_260 : i32
        %mul3A_262 = arith.constant 8 : i32
        %mul3A_263 = arith.muli %add3A_261, %mul3A_262 : i32
        %add3A_264 = arith.addi %add3A_54, %mul3A_263 : i32
        %dma_start3A_265 = arith.constant 0 : i32
        %dma_start3A_266 = arith.constant 0 : i32
        %dma_start3A_267 = tpu.memref_slice %arg9[%add3A_264, %dma_start3A_265, %dma_start3A_266] : memref<8224x16x128xf32, #tpu.memory_space<hbm>> -> memref<8x16x128xf32, #tpu.memory_space<hbm>>
        %dma_start3A_268 = arith.constant 0 : i32
        %dma_start3A_269 = arith.constant 0 : i32
        %dma_start3A_270 = tpu.memref_slice %arg9[%add3A_264, %dma_start3A_268, %dma_start3A_269] : memref<8224x16x128xf32, #tpu.memory_space<hbm>> -> memref<8x16x128xf32, #tpu.memory_space<hbm>>
        tpu.enqueue_dma source(%arg11 : memref<8x16x128xf32, #tpu.memory_space<vmem>>) target(%dma_start3A_270 : memref<8x16x128xf32, #tpu.memory_space<hbm>>) target_semaphore(%arg22 : memref<!tpu.dma_semaphore, #tpu.memory_space<semaphore_mem>>)
        %dma_wait3A_271 = arith.constant 0 : i32
        %dma_wait3A_272 = arith.constant 0 : i32
        %dma_wait3A_273 = tpu.memref_slice %arg3[%add3A_49, %dma_wait3A_271, %dma_wait3A_272] : memref<8192x16x128xf32, #tpu.memory_space<hbm>> -> memref<8x16x128xf32, #tpu.memory_space<hbm>>
        %dma_wait3A_274 = arith.constant 0 : i32
        %dma_wait3A_275 = arith.constant 0 : i32
        %dma_wait3A_276 = tpu.memref_slice %arg3[%add3A_49, %dma_wait3A_274, %dma_wait3A_275] : memref<8192x16x128xf32, #tpu.memory_space<hbm>> -> memref<8x16x128xf32, #tpu.memory_space<hbm>>
        tpu.wait_dma2 semaphore(%arg19 : memref<!tpu.dma_semaphore, #tpu.memory_space<semaphore_mem>>) src(%dma_wait3A_276 : memref<8x16x128xf32, #tpu.memory_space<hbm>>) dst(%arg12 : memref<8x16x128xf32, #tpu.memory_space<vmem>>)
        %mul3A_277 = arith.constant 4 : i32
        %mul3A_278 = arith.muli %scan3A_175, %mul3A_277 : i32
        %add3A_279 = arith.constant 1 : i32
        %add3A_280 = arith.addi %mul3A_278, %add3A_279 : i32
        %mul3A_281 = arith.constant 8 : i32
        %mul3A_282 = arith.muli %add3A_280, %mul3A_281 : i32
        %add3A_283 = arith.addi %add3A_54, %mul3A_282 : i32
        %dma_start3A_284 = arith.constant 0 : i32
        %dma_start3A_285 = arith.constant 0 : i32
        %dma_start3A_286 = tpu.memref_slice %arg9[%add3A_283, %dma_start3A_284, %dma_start3A_285] : memref<8224x16x128xf32, #tpu.memory_space<hbm>> -> memref<8x16x128xf32, #tpu.memory_space<hbm>>
        %dma_start3A_287 = arith.constant 0 : i32
        %dma_start3A_288 = arith.constant 0 : i32
        %dma_start3A_289 = tpu.memref_slice %arg9[%add3A_283, %dma_start3A_287, %dma_start3A_288] : memref<8224x16x128xf32, #tpu.memory_space<hbm>> -> memref<8x16x128xf32, #tpu.memory_space<hbm>>
        tpu.enqueue_dma source(%arg12 : memref<8x16x128xf32, #tpu.memory_space<vmem>>) target(%dma_start3A_289 : memref<8x16x128xf32, #tpu.memory_space<hbm>>) target_semaphore(%arg23 : memref<!tpu.dma_semaphore, #tpu.memory_space<semaphore_mem>>)
        %dma_wait3A_290 = arith.constant 0 : i32
        %dma_wait3A_291 = arith.constant 0 : i32
        %dma_wait3A_292 = tpu.memref_slice %arg3[%add3A_49, %dma_wait3A_290, %dma_wait3A_291] : memref<8192x16x128xf32, #tpu.memory_space<hbm>> -> memref<8x16x128xf32, #tpu.memory_space<hbm>>
        %dma_wait3A_293 = arith.constant 0 : i32
        %dma_wait3A_294 = arith.constant 0 : i32
        %dma_wait3A_295 = tpu.memref_slice %arg3[%add3A_49, %dma_wait3A_293, %dma_wait3A_294] : memref<8192x16x128xf32, #tpu.memory_space<hbm>> -> memref<8x16x128xf32, #tpu.memory_space<hbm>>
        tpu.wait_dma2 semaphore(%arg20 : memref<!tpu.dma_semaphore, #tpu.memory_space<semaphore_mem>>) src(%dma_wait3A_295 : memref<8x16x128xf32, #tpu.memory_space<hbm>>) dst(%arg13 : memref<8x16x128xf32, #tpu.memory_space<vmem>>)
        %mul3A_296 = arith.constant 4 : i32
        %mul3A_297 = arith.muli %scan3A_175, %mul3A_296 : i32
        %add3A_298 = arith.constant 2 : i32
        %add3A_299 = arith.addi %mul3A_297, %add3A_298 : i32
        %mul3A_300 = arith.constant 8 : i32
        %mul3A_301 = arith.muli %add3A_299, %mul3A_300 : i32
        %add3A_302 = arith.addi %add3A_54, %mul3A_301 : i32
        %dma_start3A_303 = arith.constant 0 : i32
        %dma_start3A_304 = arith.constant 0 : i32
        %dma_start3A_305 = tpu.memref_slice %arg9[%add3A_302, %dma_start3A_303, %dma_start3A_304] : memref<8224x16x128xf32, #tpu.memory_space<hbm>> -> memref<8x16x128xf32, #tpu.memory_space<hbm>>
        %dma_start3A_306 = arith.constant 0 : i32
        %dma_start3A_307 = arith.constant 0 : i32
        %dma_start3A_308 = tpu.memref_slice %arg9[%add3A_302, %dma_start3A_306, %dma_start3A_307] : memref<8224x16x128xf32, #tpu.memory_space<hbm>> -> memref<8x16x128xf32, #tpu.memory_space<hbm>>
        tpu.enqueue_dma source(%arg13 : memref<8x16x128xf32, #tpu.memory_space<vmem>>) target(%dma_start3A_308 : memref<8x16x128xf32, #tpu.memory_space<hbm>>) target_semaphore(%arg24 : memref<!tpu.dma_semaphore, #tpu.memory_space<semaphore_mem>>)
        %dma_wait3A_309 = arith.constant 0 : i32
        %dma_wait3A_310 = arith.constant 0 : i32
        %dma_wait3A_311 = tpu.memref_slice %arg3[%add3A_49, %dma_wait3A_309, %dma_wait3A_310] : memref<8192x16x128xf32, #tpu.memory_space<hbm>> -> memref<8x16x128xf32, #tpu.memory_space<hbm>>
        %dma_wait3A_312 = arith.constant 0 : i32
        %dma_wait3A_313 = arith.constant 0 : i32
        %dma_wait3A_314 = tpu.memref_slice %arg3[%add3A_49, %dma_wait3A_312, %dma_wait3A_313] : memref<8192x16x128xf32, #tpu.memory_space<hbm>> -> memref<8x16x128xf32, #tpu.memory_space<hbm>>
        tpu.wait_dma2 semaphore(%arg21 : memref<!tpu.dma_semaphore, #tpu.memory_space<semaphore_mem>>) src(%dma_wait3A_314 : memref<8x16x128xf32, #tpu.memory_space<hbm>>) dst(%arg14 : memref<8x16x128xf32, #tpu.memory_space<vmem>>)
        %mul3A_315 = arith.constant 4 : i32
        %mul3A_316 = arith.muli %scan3A_175, %mul3A_315 : i32
        %add3A_317 = arith.constant 3 : i32
        %add3A_318 = arith.addi %mul3A_316, %add3A_317 : i32
        %mul3A_319 = arith.constant 8 : i32
        %mul3A_320 = arith.muli %add3A_318, %mul3A_319 : i32
        %add3A_321 = arith.addi %add3A_54, %mul3A_320 : i32
        %dma_start3A_322 = arith.constant 0 : i32
        %dma_start3A_323 = arith.constant 0 : i32
        %dma_start3A_324 = tpu.memref_slice %arg9[%add3A_321, %dma_start3A_322, %dma_start3A_323] : memref<8224x16x128xf32, #tpu.memory_space<hbm>> -> memref<8x16x128xf32, #tpu.memory_space<hbm>>
        %dma_start3A_325 = arith.constant 0 : i32
        %dma_start3A_326 = arith.constant 0 : i32
        %dma_start3A_327 = tpu.memref_slice %arg9[%add3A_321, %dma_start3A_325, %dma_start3A_326] : memref<8224x16x128xf32, #tpu.memory_space<hbm>> -> memref<8x16x128xf32, #tpu.memory_space<hbm>>
        tpu.enqueue_dma source(%arg14 : memref<8x16x128xf32, #tpu.memory_space<vmem>>) target(%dma_start3A_327 : memref<8x16x128xf32, #tpu.memory_space<hbm>>) target_semaphore(%arg25 : memref<!tpu.dma_semaphore, #tpu.memory_space<semaphore_mem>>)
      }
      %scan3A_145 = arith.constant 15 : i32
      %dma_wait3A_146 = arith.constant 0 : i32
      %dma_wait3A_147 = arith.constant 0 : i32
      %dma_wait3A_148 = tpu.memref_slice %arg9[%add3A_54, %dma_wait3A_146, %dma_wait3A_147] : memref<8224x16x128xf32, #tpu.memory_space<hbm>> -> memref<8x16x128xf32, #tpu.memory_space<hbm>>
      %dma_wait3A_149 = arith.constant 0 : i32
      %dma_wait3A_150 = arith.constant 0 : i32
      %dma_wait3A_151 = tpu.memref_slice %arg9[%add3A_54, %dma_wait3A_149, %dma_wait3A_150] : memref<8224x16x128xf32, #tpu.memory_space<hbm>> -> memref<8x16x128xf32, #tpu.memory_space<hbm>>
      tpu.wait_dma2 semaphore(%arg22 : memref<!tpu.dma_semaphore, #tpu.memory_space<semaphore_mem>>) src(%arg11 : memref<8x16x128xf32, #tpu.memory_space<vmem>>) dst(%dma_wait3A_151 : memref<8x16x128xf32, #tpu.memory_space<hbm>>)
      %dma_wait3A_152 = arith.constant 0 : i32
      %dma_wait3A_153 = arith.constant 0 : i32
      %dma_wait3A_154 = tpu.memref_slice %arg9[%add3A_54, %dma_wait3A_152, %dma_wait3A_153] : memref<8224x16x128xf32, #tpu.memory_space<hbm>> -> memref<8x16x128xf32, #tpu.memory_space<hbm>>
      %dma_wait3A_155 = arith.constant 0 : i32
      %dma_wait3A_156 = arith.constant 0 : i32
      %dma_wait3A_157 = tpu.memref_slice %arg9[%add3A_54, %dma_wait3A_155, %dma_wait3A_156] : memref<8224x16x128xf32, #tpu.memory_space<hbm>> -> memref<8x16x128xf32, #tpu.memory_space<hbm>>
      tpu.wait_dma2 semaphore(%arg23 : memref<!tpu.dma_semaphore, #tpu.memory_space<semaphore_mem>>) src(%arg12 : memref<8x16x128xf32, #tpu.memory_space<vmem>>) dst(%dma_wait3A_157 : memref<8x16x128xf32, #tpu.memory_space<hbm>>)
      %dma_wait3A_158 = arith.constant 0 : i32
      %dma_wait3A_159 = arith.constant 0 : i32
      %dma_wait3A_160 = tpu.memref_slice %arg9[%add3A_54, %dma_wait3A_158, %dma_wait3A_159] : memref<8224x16x128xf32, #tpu.memory_space<hbm>> -> memref<8x16x128xf32, #tpu.memory_space<hbm>>
      %dma_wait3A_161 = arith.constant 0 : i32
      %dma_wait3A_162 = arith.constant 0 : i32
      %dma_wait3A_163 = tpu.memref_slice %arg9[%add3A_54, %dma_wait3A_161, %dma_wait3A_162] : memref<8224x16x128xf32, #tpu.memory_space<hbm>> -> memref<8x16x128xf32, #tpu.memory_space<hbm>>
      tpu.wait_dma2 semaphore(%arg24 : memref<!tpu.dma_semaphore, #tpu.memory_space<semaphore_mem>>) src(%arg13 : memref<8x16x128xf32, #tpu.memory_space<vmem>>) dst(%dma_wait3A_163 : memref<8x16x128xf32, #tpu.memory_space<hbm>>)
      %dma_wait3A_164 = arith.constant 0 : i32
      %dma_wait3A_165 = arith.constant 0 : i32
      %dma_wait3A_166 = tpu.memref_slice %arg9[%add3A_54, %dma_wait3A_164, %dma_wait3A_165] : memref<8224x16x128xf32, #tpu.memory_space<hbm>> -> memref<8x16x128xf32, #tpu.memory_space<hbm>>
      %dma_wait3A_167 = arith.constant 0 : i32
      %dma_wait3A_168 = arith.constant 0 : i32
      %dma_wait3A_169 = tpu.memref_slice %arg9[%add3A_54, %dma_wait3A_167, %dma_wait3A_168] : memref<8224x16x128xf32, #tpu.memory_space<hbm>> -> memref<8x16x128xf32, #tpu.memory_space<hbm>>
      tpu.wait_dma2 semaphore(%arg25 : memref<!tpu.dma_semaphore, #tpu.memory_space<semaphore_mem>>) src(%arg14 : memref<8x16x128xf32, #tpu.memory_space<vmem>>) dst(%dma_wait3A_169 : memref<8x16x128xf32, #tpu.memory_space<hbm>>)
      %eq3A_170 = arith.constant 1 : i32
      %eq3A_171 = arith.cmpi eq, %select_n3A_44, %eq3A_170 : i32
      %convert_element_type3A_172 = arith.extui %eq3A_171 : i1 to i32
      %cond3A_173 = arith.constant 0 : i32
      %cond3A_174 = arith.cmpi ne, %convert_element_type3A_172, %cond3A_173 : i32
      scf.if %cond3A_174 {
        %mul3A_175 = arith.constant 4 : i32
        %mul3A_176 = arith.muli %select_n3A, %mul3A_175 : i32
        "tpu.region"() ({
          %run_scoped3A = tpu.sem_alloc : memref<!tpu.dma_semaphore, #tpu.memory_space<semaphore_mem>>
          %dma_start3A_181 = arith.constant 0 : i32
          %dma_start3A_182 = arith.constant 0 : i32
          %dma_start3A_183 = arith.constant 0 : i32
          %dma_start3A_184 = tpu.memref_slice %arg11[%dma_start3A_181, %dma_start3A_182, %dma_start3A_183] : memref<8x16x128xf32, #tpu.memory_space<vmem>> -> memref<4x16x128xf32, #tpu.memory_space<vmem>>
          %dma_start3A_185 = arith.constant 0 : i32
          %dma_start3A_186 = arith.constant 0 : i32
          %dma_start3A_187 = tpu.memref_slice %arg6[%mul3A_176, %dma_start3A_185, %dma_start3A_186] : memref<32x16x128xf32, #tpu.memory_space<hbm>> -> memref<4x16x128xf32, #tpu.memory_space<hbm>>
          %dma_start3A_188 = arith.constant 0 : i32
          %dma_start3A_189 = arith.constant 0 : i32
          %dma_start3A_190 = arith.constant 0 : i32
          %dma_start3A_191 = tpu.memref_slice %arg11[%dma_start3A_188, %dma_start3A_189, %dma_start3A_190] : memref<8x16x128xf32, #tpu.memory_space<vmem>> -> memref<4x16x128xf32, #tpu.memory_space<vmem>>
          %dma_start3A_192 = arith.constant 0 : i32
          %dma_start3A_193 = arith.constant 0 : i32
          %dma_start3A_194 = tpu.memref_slice %arg6[%mul3A_176, %dma_start3A_192, %dma_start3A_193] : memref<32x16x128xf32, #tpu.memory_space<hbm>> -> memref<4x16x128xf32, #tpu.memory_space<hbm>>
          tpu.enqueue_dma source(%dma_start3A_194 : memref<4x16x128xf32, #tpu.memory_space<hbm>>) target(%dma_start3A_191 : memref<4x16x128xf32, #tpu.memory_space<vmem>>) target_semaphore(%run_scoped3A : memref<!tpu.dma_semaphore, #tpu.memory_space<semaphore_mem>>)
          %dma_wait3A_195 = arith.constant 0 : i32
          %dma_wait3A_196 = arith.constant 0 : i32
          %dma_wait3A_197 = arith.constant 0 : i32
          %dma_wait3A_198 = tpu.memref_slice %arg11[%dma_wait3A_195, %dma_wait3A_196, %dma_wait3A_197] : memref<8x16x128xf32, #tpu.memory_space<vmem>> -> memref<4x16x128xf32, #tpu.memory_space<vmem>>
          %dma_wait3A_199 = arith.constant 0 : i32
          %dma_wait3A_200 = arith.constant 0 : i32
          %dma_wait3A_201 = tpu.memref_slice %arg6[%mul3A_176, %dma_wait3A_199, %dma_wait3A_200] : memref<32x16x128xf32, #tpu.memory_space<hbm>> -> memref<4x16x128xf32, #tpu.memory_space<hbm>>
          %dma_wait3A_202 = arith.constant 0 : i32
          %dma_wait3A_203 = arith.constant 0 : i32
          %dma_wait3A_204 = arith.constant 0 : i32
          %dma_wait3A_205 = tpu.memref_slice %arg11[%dma_wait3A_202, %dma_wait3A_203, %dma_wait3A_204] : memref<8x16x128xf32, #tpu.memory_space<vmem>> -> memref<4x16x128xf32, #tpu.memory_space<vmem>>
          %dma_wait3A_206 = arith.constant 0 : i32
          %dma_wait3A_207 = arith.constant 0 : i32
          %dma_wait3A_208 = tpu.memref_slice %arg6[%mul3A_176, %dma_wait3A_206, %dma_wait3A_207] : memref<32x16x128xf32, #tpu.memory_space<hbm>> -> memref<4x16x128xf32, #tpu.memory_space<hbm>>
          tpu.wait_dma2 semaphore(%run_scoped3A : memref<!tpu.dma_semaphore, #tpu.memory_space<semaphore_mem>>) src(%dma_wait3A_208 : memref<4x16x128xf32, #tpu.memory_space<hbm>>) dst(%dma_wait3A_205 : memref<4x16x128xf32, #tpu.memory_space<vmem>>)
          tpu.yield
        }) : () -> ()
        %mul3A_177 = arith.constant 1028 : i32
        %mul3A_178 = arith.muli %select_n3A, %mul3A_177 : i32
        %add3A_179 = arith.constant 1024 : i32
        %add3A_180 = arith.addi %mul3A_178, %add3A_179 : i32
        "tpu.region"() ({
          %run_scoped3A = tpu.sem_alloc : memref<!tpu.dma_semaphore, #tpu.memory_space<semaphore_mem>>
          %dma_start3A_181 = arith.constant 0 : i32
          %dma_start3A_182 = arith.constant 0 : i32
          %dma_start3A_183 = arith.constant 0 : i32
          %dma_start3A_184 = tpu.memref_slice %arg11[%dma_start3A_181, %dma_start3A_182, %dma_start3A_183] : memref<8x16x128xf32, #tpu.memory_space<vmem>> -> memref<4x16x128xf32, #tpu.memory_space<vmem>>
          %dma_start3A_185 = arith.constant 0 : i32
          %dma_start3A_186 = arith.constant 0 : i32
          %dma_start3A_187 = tpu.memref_slice %arg9[%add3A_180, %dma_start3A_185, %dma_start3A_186] : memref<8224x16x128xf32, #tpu.memory_space<hbm>> -> memref<4x16x128xf32, #tpu.memory_space<hbm>>
          %dma_start3A_188 = arith.constant 0 : i32
          %dma_start3A_189 = arith.constant 0 : i32
          %dma_start3A_190 = tpu.memref_slice %arg9[%add3A_180, %dma_start3A_188, %dma_start3A_189] : memref<8224x16x128xf32, #tpu.memory_space<hbm>> -> memref<4x16x128xf32, #tpu.memory_space<hbm>>
          %dma_start3A_191 = arith.constant 0 : i32
          %dma_start3A_192 = arith.constant 0 : i32
          %dma_start3A_193 = arith.constant 0 : i32
          %dma_start3A_194 = tpu.memref_slice %arg11[%dma_start3A_191, %dma_start3A_192, %dma_start3A_193] : memref<8x16x128xf32, #tpu.memory_space<vmem>> -> memref<4x16x128xf32, #tpu.memory_space<vmem>>
          tpu.enqueue_dma source(%dma_start3A_194 : memref<4x16x128xf32, #tpu.memory_space<vmem>>) target(%dma_start3A_190 : memref<4x16x128xf32, #tpu.memory_space<hbm>>) target_semaphore(%run_scoped3A : memref<!tpu.dma_semaphore, #tpu.memory_space<semaphore_mem>>)
          %dma_wait3A_195 = arith.constant 0 : i32
          %dma_wait3A_196 = arith.constant 0 : i32
          %dma_wait3A_197 = arith.constant 0 : i32
          %dma_wait3A_198 = tpu.memref_slice %arg11[%dma_wait3A_195, %dma_wait3A_196, %dma_wait3A_197] : memref<8x16x128xf32, #tpu.memory_space<vmem>> -> memref<4x16x128xf32, #tpu.memory_space<vmem>>
          %dma_wait3A_199 = arith.constant 0 : i32
          %dma_wait3A_200 = arith.constant 0 : i32
          %dma_wait3A_201 = tpu.memref_slice %arg9[%add3A_180, %dma_wait3A_199, %dma_wait3A_200] : memref<8224x16x128xf32, #tpu.memory_space<hbm>> -> memref<4x16x128xf32, #tpu.memory_space<hbm>>
          %dma_wait3A_202 = arith.constant 0 : i32
          %dma_wait3A_203 = arith.constant 0 : i32
          %dma_wait3A_204 = tpu.memref_slice %arg9[%add3A_180, %dma_wait3A_202, %dma_wait3A_203] : memref<8224x16x128xf32, #tpu.memory_space<hbm>> -> memref<4x16x128xf32, #tpu.memory_space<hbm>>
          %dma_wait3A_205 = arith.constant 0 : i32
          %dma_wait3A_206 = arith.constant 0 : i32
          %dma_wait3A_207 = arith.constant 0 : i32
          %dma_wait3A_208 = tpu.memref_slice %arg11[%dma_wait3A_205, %dma_wait3A_206, %dma_wait3A_207] : memref<8x16x128xf32, #tpu.memory_space<vmem>> -> memref<4x16x128xf32, #tpu.memory_space<vmem>>
          tpu.wait_dma2 semaphore(%run_scoped3A : memref<!tpu.dma_semaphore, #tpu.memory_space<semaphore_mem>>) src(%dma_wait3A_208 : memref<4x16x128xf32, #tpu.memory_space<vmem>>) dst(%dma_wait3A_204 : memref<4x16x128xf32, #tpu.memory_space<hbm>>)
          tpu.yield
        }) : () -> ()
      } else {
      }
    } else {
    }
    %eq3A = arith.constant 0 : i32
    %eq3A_7 = arith.cmpi eq, %add3A, %eq3A : i32
    %convert_element_type3A_8 = arith.extui %eq3A_7 : i1 to i32
    %cond3A_9 = arith.constant 0 : i32
    %cond3A_10 = arith.cmpi ne, %convert_element_type3A_8, %cond3A_9 : i32
    scf.if %cond3A_10 {
      "tpu.region"() ({
        %run_scoped3A = tpu.sem_alloc : memref<!tpu.dma_semaphore, #tpu.memory_space<semaphore_mem>>
        %dma_start3A = arith.constant 0 : i32
        %dma_start3A_20 = tpu.memref_slice %arg15[%dma_start3A] : memref<16xi32, #tpu.memory_space<vmem>> -> memref<9xi32, #tpu.memory_space<vmem>>
        %dma_start3A_21 = arith.constant 0 : i32
        %dma_start3A_22 = tpu.memref_slice %arg15[%dma_start3A_21] : memref<16xi32, #tpu.memory_space<vmem>> -> memref<9xi32, #tpu.memory_space<vmem>>
        tpu.enqueue_dma source(%arg4 : memref<9xi32, #tpu.memory_space<hbm>>) target(%dma_start3A_22 : memref<9xi32, #tpu.memory_space<vmem>>) target_semaphore(%run_scoped3A : memref<!tpu.dma_semaphore, #tpu.memory_space<semaphore_mem>>)
        %dma_wait3A = arith.constant 0 : i32
        %dma_wait3A_23 = tpu.memref_slice %arg15[%dma_wait3A] : memref<16xi32, #tpu.memory_space<vmem>> -> memref<9xi32, #tpu.memory_space<vmem>>
        %dma_wait3A_24 = arith.constant 0 : i32
        %dma_wait3A_25 = tpu.memref_slice %arg15[%dma_wait3A_24] : memref<16xi32, #tpu.memory_space<vmem>> -> memref<9xi32, #tpu.memory_space<vmem>>
        tpu.wait_dma2 semaphore(%run_scoped3A : memref<!tpu.dma_semaphore, #tpu.memory_space<semaphore_mem>>) src(%arg4 : memref<9xi32, #tpu.memory_space<hbm>>) dst(%dma_wait3A_25 : memref<9xi32, #tpu.memory_space<vmem>>)
        tpu.yield
      }) : () -> ()
      "tpu.region"() ({
        %run_scoped3A = tpu.sem_alloc : memref<!tpu.dma_semaphore, #tpu.memory_space<semaphore_mem>>
        %dma_start3A = arith.constant 0 : i32
        %dma_start3A_20 = tpu.memref_slice %arg16[%dma_start3A] : memref<16xi32, #tpu.memory_space<vmem>> -> memref<9xi32, #tpu.memory_space<vmem>>
        %dma_start3A_21 = arith.constant 0 : i32
        %dma_start3A_22 = tpu.memref_slice %arg16[%dma_start3A_21] : memref<16xi32, #tpu.memory_space<vmem>> -> memref<9xi32, #tpu.memory_space<vmem>>
        tpu.enqueue_dma source(%arg7 : memref<9xi32, #tpu.memory_space<hbm>>) target(%dma_start3A_22 : memref<9xi32, #tpu.memory_space<vmem>>) target_semaphore(%run_scoped3A : memref<!tpu.dma_semaphore, #tpu.memory_space<semaphore_mem>>)
        %dma_wait3A = arith.constant 0 : i32
        %dma_wait3A_23 = tpu.memref_slice %arg16[%dma_wait3A] : memref<16xi32, #tpu.memory_space<vmem>> -> memref<9xi32, #tpu.memory_space<vmem>>
        %dma_wait3A_24 = arith.constant 0 : i32
        %dma_wait3A_25 = tpu.memref_slice %arg16[%dma_wait3A_24] : memref<16xi32, #tpu.memory_space<vmem>> -> memref<9xi32, #tpu.memory_space<vmem>>
        tpu.wait_dma2 semaphore(%run_scoped3A : memref<!tpu.dma_semaphore, #tpu.memory_space<semaphore_mem>>) src(%arg7 : memref<9xi32, #tpu.memory_space<hbm>>) dst(%dma_wait3A_25 : memref<9xi32, #tpu.memory_space<vmem>>)
        tpu.yield
      }) : () -> ()
      %get3A = arith.constant 0 : index
      %get3A_11 = tpu.vector_load %arg15[%get3A] {strides = array<i32>} : memref<16xi32, #tpu.memory_space<vmem>>, vector<16xi32>,
      %get3A_12 = vector.shape_cast %get3A_11 : vector<16xi32> to vector<16xi32>
      %get3A_13 = arith.constant 0 : index
      %get3A_14 = tpu.vector_load %arg16[%get3A_13] {strides = array<i32>} : memref<16xi32, #tpu.memory_space<vmem>>, vector<16xi32>,
      %get3A_15 = vector.shape_cast %get3A_14 : vector<16xi32> to vector<16xi32>
      %add3A_16 = arith.addi %get3A_12, %get3A_15 : vector<16xi32>
      %swap3A = arith.constant 0 : index
      %swap3A_17 = tpu.vector_load %arg17[%swap3A] {strides = array<i32>} : memref<16xi32, #tpu.memory_space<vmem>>, vector<16xi32>,
      %swap3A_18 = vector.shape_cast %swap3A_17 : vector<16xi32> to vector<16xi32>
      %swap3A_19 = vector.shape_cast %add3A_16 : vector<16xi32> to vector<16xi32>
      tpu.vector_store %arg17[%swap3A], %swap3A_19 {strides = array<i32>} : memref<16xi32, #tpu.memory_space<vmem>>, vector<16xi32>,
      "tpu.region"() ({
        %run_scoped3A = tpu.sem_alloc : memref<!tpu.dma_semaphore, #tpu.memory_space<semaphore_mem>>
        %dma_start3A = arith.constant 0 : i32
        %dma_start3A_20 = tpu.memref_slice %arg17[%dma_start3A] : memref<16xi32, #tpu.memory_space<vmem>> -> memref<9xi32, #tpu.memory_space<vmem>>
        %dma_start3A_21 = arith.constant 0 : i32
        %dma_start3A_22 = tpu.memref_slice %arg17[%dma_start3A_21] : memref<16xi32, #tpu.memory_space<vmem>> -> memref<9xi32, #tpu.memory_space<vmem>>
        tpu.enqueue_dma source(%dma_start3A_22 : memref<9xi32, #tpu.memory_space<vmem>>) target(%arg10 : memref<9xi32, #tpu.memory_space<hbm>>) target_semaphore(%run_scoped3A : memref<!tpu.dma_semaphore, #tpu.memory_space<semaphore_mem>>)
        %dma_wait3A = arith.constant 0 : i32
        %dma_wait3A_23 = tpu.memref_slice %arg17[%dma_wait3A] : memref<16xi32, #tpu.memory_space<vmem>> -> memref<9xi32, #tpu.memory_space<vmem>>
        %dma_wait3A_24 = arith.constant 0 : i32
        %dma_wait3A_25 = tpu.memref_slice %arg17[%dma_wait3A_24] : memref<16xi32, #tpu.memory_space<vmem>> -> memref<9xi32, #tpu.memory_space<vmem>>
        tpu.wait_dma2 semaphore(%run_scoped3A : memref<!tpu.dma_semaphore, #tpu.memory_space<semaphore_mem>>) src(%dma_wait3A_25 : memref<9xi32, #tpu.memory_space<vmem>>) dst(%arg10 : memref<9xi32, #tpu.memory_space<hbm>>)
        tpu.yield
      }) : () -> ()
    } else {
    }
    return
  }
}

</mosaic_0001>

<sc_bundles>
// kernel: kernel.3.cloned.1.call-start
scs
__scs_entry_jumppad:
0x0: {  	(pc) =	sbr.rel $0x88, $3  }
0x1: {  	(tag) =	ssettag $0x0;
	lr =	simm.s32 $0x1  }
0x2: {  	[smem:$0x3F9B] =	sst lr;
	_ =	strace $0xD0000000  }
0x3: {  	_ = 	snop  }
0x4: {  	_ = 	snop  }
0x5: {  	_ = 	snop  }
0x6: {  	_ = 	snop  }
0x7: {  	_ = 	snop  }
__scs_overlays_trampoline_lowered:
0x8: {  	[smem:$0x3FAA] =	sst s0  }
0x9: {  	[smem:$0x3FAB] =	sst s1  }
0xa: {  	[smem:$0x3FAC] =	sst s2  }
0xb: {  	[smem:$0x3FAD] =	sst s3  }
0xc: {  	[smem:$0x3FAE] =	sst s4  }
0xd: {  	[smem:$0x3FAF] =	sst s5  }
0xe: {  	[smem:$0x3FB0] =	sst s6  }
0xf: {  	[smem:$0x3FB1] =	sst s7  }
0x10: {  	[smem:$0x3FB2] =	sst s8  }
0x11: {  	[smem:$0x3FB3] =	sst s9;
	s0 =	simm.s32 @!p0 $0x0  }
0x12: {  	s1 =	sld [smem:$0x3F99];
	s0 =	simm.s32 @p0 $0x1  }
0x13: {  	[smem:$0x3FB4] =	sst s0;
	s0 =	simm.s32 @!p1 $0x0  }
0x14: {  	s2 =	sld [smem:$0x3F98];
	s0 =	simm.s32 @p1 $0x1  }
0x15: {  	[smem:$0x3FB5] =	sst s0;
	s0 =	simm.s32 @!p2 $0x0  }
0x16: {  	s3 =	sld [smem:$0x3FDB];
	s0 =	simm.s32 @p2 $0x1  }
0x17: {  	s4 =	simm.s32 $0x1BF5;
	[smem:$0x3FB7] =	sst s0  }
0x18: {  	s0 =	sld [smem:$0x3F9A];
	_ =	swait.ge [sflag:s4], $0x0  }
0x19: {  	s7 =	sld [smem:$0x3F9B]  }
0x1a: {  	s8 =	sadd.s32 $0xFFFFE003, lr  }
0x1b: {  	s9 =	sadd.s32 $0xFFFFFEF7, lr;
	s5 =	simm.s32 $0xFFFFFFFF;
	p2 =	slt.u32 s8, $0xFFFFF086  }
0x1c: {  	p1 =	slt.u32 s9, $0xF7A;
	s5 =	simm.s32 @!p2 $0x0  }
0x1d: {  	s5 =	simm.s32 @p1 $0x1;
	p0 =	seq.s32 s7, s2  }
0x1e: {  	s7 =	smul.u32 @!p0 $0xF7A, s2;
	p2 =	seq.s32 @!p0 s5, $0x0  }
0x1f: {  	s9 =	smul.u32 $0xF7A, s1;
	s8 =	simm.s32 @!p0 $0x1BF5;
	p2 =	por !p2, p0  }
0x20: {  	[sflag:s8] =	ssyncset.s32 @!p0 $0xFFFFF086;
	s6 =	sadd.s32 @!p0 s3, s7;
	s7 =	simm.s32 @!p0 $0x108  }
0x21: {  	s3 =	sadd.s32 s3, s9;
	s6 =	sadd.s32 @!p0 $0x88, s6;
	s7 =	simm.s32 @p2 $0x1082  }
0x22: {  	[simem:s7], [sflag:s8] =	dma.local @!p0 [hbm:s6], $0xF7A  }
0x23: {  	s9 =	sor.u32 $0xD0000000, s2;
	s6 =	simm.s32 $0x108;
	_ =	swait.ge @!p0 [sflag:s8], $0x0  }
0x24: {  	s3 =	sadd.s32 $0x88, s3;
	s6 =	simm.s32 @!p1 $0x1082;
	[sflag:s4] =	ssyncset.s32 $0xFFFFF086  }
0x25: {  	[simem:s6], [sflag:s4] =	dma.local [hbm:s3], $0xF7A  }
0x26: {  	[smem:$0x3F9B] =	sst s1;
	(tag) =	ssettag s2;
	_ =	strace s9  }
0x27: {  	s1 =	sld [smem:$0x3FAB]  }
0x28: {  	s2 =	sld [smem:$0x3FAC]  }
0x29: {  	s4 =	sld [smem:$0x3FAE]  }
0x2a: {  	p0 =	seq.s32 s5, $0x0;
	s5 =	sld [smem:$0x3FAF]  }
0x2b: {  	s6 =	sld [smem:$0x3FB0]  }
0x2c: {  	s7 =	sld [smem:$0x3FB1]  }
0x2d: {  	s3 =	simm.s32 $0x108;
	s8 =	sld [smem:$0x3FB2]  }
0x2e: {  	s3 =	simm.s32 @!p0 $0x1082;
	s9 =	sld [smem:$0x3FB3]  }
0x2f: {  	lr =	sadd.s32 s0, s3;
	s0 =	sld [smem:$0x3FAA]  }
0x30: {  	s3 =	sld [smem:$0x3FAD]  }
0x31: {  	[smem:$0x3FB6] =	sst s10  }
0x32: {  	s10 =	sld [smem:$0x3FB4];
	_ =	sdelay $0x3  }
0x33: {  	p0 =	seq.s32 s10, $0x1;
	s10 =	sld [smem:$0x3FB6];
	_ =	sdelay $0x3  }
0x34: {  	[smem:$0x3FB6] =	sst s10  }
0x35: {  	s10 =	sld [smem:$0x3FB5];
	_ =	sdelay $0x3  }
0x36: {  	p1 =	seq.s32 s10, $0x1;
	s10 =	sld [smem:$0x3FB6];
	_ =	sdelay $0x3  }
0x37: {  	[smem:$0x3FB6] =	sst s10  }
0x38: {  	s10 =	sld [smem:$0x3FB7]  }
0x39: {  	_ = 	snop;
	(pc) =	sbr.ind lr, $3  }
0x3a: {  	_ = 	snop  }
0x3b: {  	_ = 	snop  }
0x3c: {  	p2 =	seq.s32 s10, $0x1;
	s10 =	sld [smem:$0x3FB6]  }
0x3d: {  	_ =	shalt  }
0x3e: {  	_ =	shalt  }
0x3f: {  	_ =	shalt  }
0x40: {  	_ =	shalt  }
0x41: {  	_ =	shalt  }
0x42: {  	_ =	shalt  }
0x43: {  	_ =	shalt  }
0x44: {  	_ =	shalt  }
0x45: {  	_ =	shalt  }
0x46: {  	_ =	shalt  }
0x47: {  	_ =	shalt  }
0x48: {  	_ =	shalt  }
0x49: {  	_ =	shalt  }
0x4a: {  	_ =	shalt  }
0x4b: {  	_ =	shalt  }
0x4c: {  	_ =	shalt  }
0x4d: {  	_ =	shalt  }
0x4e: {  	_ =	shalt  }
0x4f: {  	_ =	shalt  }
0x50: {  	_ =	shalt  }
0x51: {  	_ =	shalt  }
0x52: {  	_ =	shalt  }
0x53: {  	_ =	shalt  }
0x54: {  	_ =	shalt  }
0x55: {  	_ =	shalt  }
0x56: {  	_ =	shalt  }
0x57: {  	_ =	shalt  }
0x58: {  	_ =	shalt  }
0x59: {  	_ =	shalt  }
0x5a: {  	_ =	shalt  }
0x5b: {  	_ =	shalt  }
0x5c: {  	_ =	shalt  }
0x5d: {  	_ =	shalt  }
0x5e: {  	_ =	shalt  }
0x5f: {  	_ =	shalt  }
0x60: {  	_ =	shalt  }
0x61: {  	_ =	shalt  }
0x62: {  	_ =	shalt  }
0x63: {  	_ =	shalt  }
0x64: {  	_ =	shalt  }
0x65: {  	_ =	shalt  }
0x66: {  	_ =	shalt  }
0x67: {  	_ =	shalt  }
0x68: {  	_ =	shalt  }
0x69: {  	_ =	shalt  }
0x6a: {  	_ =	shalt  }
0x6b: {  	_ =	shalt  }
0x6c: {  	_ =	shalt  }
0x6d: {  	_ =	shalt  }
0x6e: {  	_ =	shalt  }
0x6f: {  	_ =	shalt  }
0x70: {  	_ =	shalt  }
0x71: {  	_ =	shalt  }
0x72: {  	_ =	shalt  }
0x73: {  	_ =	shalt  }
0x74: {  	_ =	shalt  }
0x75: {  	_ =	shalt  }
0x76: {  	_ =	shalt  }
0x77: {  	_ =	shalt  }
0x78: {  	_ =	shalt  }
0x79: {  	_ =	shalt  }
0x7a: {  	_ =	shalt  }
0x7b: {  	_ =	shalt  }
0x7c: {  	_ =	shalt  }
0x7d: {  	_ =	shalt  }
0x7e: {  	_ =	shalt  }
0x7f: {  	_ =	shalt  }
0x80: {  	_ =	shalt  }
0x81: {  	_ =	shalt  }
0x82: {  	_ =	shalt  }
0x83: {  	_ =	shalt  }
0x84: {  	_ =	shalt  }
0x85: {  	_ =	shalt  }
0x86: {  	_ =	shalt  }
0x87: {  	_ =	shalt  }
.Lfunc_end0:
.L_simem_size_0:
called_computation_lowered:
.L_overlay_start_0:
0x88: {  	s2 =	sld [smem:$0x3FD9]  }
0x89: {  	s3 =	sld [smem:$0x3FFE];
	_ =	sdelay $0x1  }
0x8a: {  	s1 =	srdreg.scid  }
0x8b: {  	s0 =	sand.u32 $0x1, s1  }
0x8c: {  	s15 =	sshll.u32 s0, $0xA;
	s2 =	sadd.s32 s3, s2  }
0x8d: {  	s2 =	sadd.s32 s2, s15  }
0x8e: {  	[smem:$0x3FC2] =	sst s2  }
0x8f: {  	_ = 	snop  }
0x90: {  	s2 =	sld [smem:$0x3FC9]  }
0x91: {  	s16 =	sld [smem:$0x3FC8]  }
0x92: {  	s4 =	sld [smem:$0x3FC7]  }
0x93: {  	s5 =	sld [smem:$0x3FD0]  }
0x94: {  	s6 =	sld [smem:$0x3FC6]  }
0x95: {  	s7 =	sld [smem:$0x3FC5]  }
0x96: {  	s9 =	simm.s32 $0xA;
	s10 =	simm.s32 $0x10;
	s8 =	sld [smem:$0x3FC4]  }
0x97: {  	[smem:s10], [sflag:s9] =	dma.local [hbm:s5], $0x1  }
0x98: {  	_ =	swait.eq [sflag:s9], $0x1  }
0x99: {  	s17 =	sld [smem:$0x10];
	[sflag:s9] =	ssyncset.done $0x0  }
0x9a: {  	s18 =	sld [smem:$0x11];
	[sflag:s9] =	ssyncadd.s32 $0xFFFFFFFF  }
0x9b: {  	s19 =	sld [smem:$0x12];
	(tm) =	ssettm $0x1  }
0x9c: {  	s11 =	sld [smem:$0x3FFB];
	_ =	sdelay $0x3  }
0x9d: {  	_ =	strace s11  }
0x9e: {  	s11 =	sld [smem:$0x3FFC];
	_ =	sdelay $0x3  }
0x9f: {  	_ =	strace s11  }
0xa0: {  	s11 =	sld [smem:$0x3FFD];
	_ =	sdelay $0x3  }
0xa1: {  	_ =	strace s11  }
0xa2: {  	_ =	strace $0x8FFFFFFF  }
0xa3: {  	s20 =	sld [smem:$0x3FDB];
	_ =	sdelay $0x1  }
0xa4: {  	s12 =	simm.s32 $_scs_section_size  }
0xa5: {  	s13 =	simm.s32 $_size__tile_overlayer_lowered;
	s14 =	simm.s32 $_tile_overlayer_lowered  }
0xa6: {  	s23 =	simm.s32 $0x1BFF;
	s22 =	sshll.u32 s14, $0x1;
	s11 =	sadd.s32 s12, s20  }
0xa7: {  	s21 =	sshll.u32 s13, $0x1;
	s15 =	simm.s32 $0x0;
	s13 =	sadd.s32 s22, s11  }
0xa8: {  	[timem:s15], [sflag:s23] =	dma.local [hbm:s13], s21  }
0xa9: {  	_ =	swait.ge [sflag:s23], s21  }
0xaa: {  	s12 =	ssub.s32 $0x0, s21;
	[sflag:s23] =	ssyncset.done $0x0  }
0xab: {  	[sflag:s23] =	ssyncadd.s32 s12;
	_ =	sdelay $0x1  }
0xac: {  	s24 =	simm.s32 $0x1B8B  }
0xad: {  	_ =	swait.ge [sflag:s24], $0x1  }
0xae: {  	[sflag:s24] =	ssyncset.done $0x0  }
0xaf: {  	s25 =	simm.s32 $0x1B8E;
	[sflag:s24] =	ssyncadd.s32 $0xFFFFFFFF  }
0xb0: {  	s26 =	simm.s32 $execute0_lowered;
	[smem:$0x3FD2] =	sst s25  }
0xb1: {  	s12 =	sshll.u32 s26, $0x1;
	_ =	strace $0x80000046;
	[dreg:$0x1] =	wrdreg $0xFFFFFFFF  }
0xb2: {  	s28 =	simm.s32 $_size_execute0_lowered;
	s11 =	sadd.s32 s11, s12;
	[dreg:$0x0] =	wrdreg $0x0  }
0xb3: {  	s12 =	sshll.u32 s28, $0x1;
	[dreg:$0x2] =	wrdreg s11  }
0xb4: {  	[dreg:$0x3] =	wrdreg s12  }
0xb5: {  	[dreg:$0x4] =	wrdreg $0xC0  }
0xb6: {  	_ =	task [dreg:s15], $0x5FFFF  }
0xb7: {  	[dreg:$0x1] =	wrdreg $0xFFFFFFFF  }
0xb8: {  	[dreg:$0x0] =	wrdreg $0x60  }
0xb9: {  	[dreg:$0x2] =	wrdreg s2  }
0xba: {  	[dreg:$0x3] =	wrdreg s16  }
0xbb: {  	[dreg:$0x4] =	wrdreg s4  }
0xbc: {  	[dreg:$0x5] =	wrdreg s6  }
0xbd: {  	[dreg:$0x6] =	wrdreg s7  }
0xbe: {  	[dreg:$0x7] =	wrdreg s8  }
0xbf: {  	[dreg:$0x8] =	wrdreg s17  }
0xc0: {  	[dreg:$0x9] =	wrdreg s18  }
0xc1: {  	[dreg:$0xa] =	wrdreg s19  }
0xc2: {  	[dreg:$0xb] =	wrdreg $0x9  }
0xc3: {  	_ =	task.clear_ibuf [dreg:s15], $0xCFFFF;
	_ =	strace $0x90000046  }
0xc4: {  	s29 =	simm.s32 $0x9;
	_ =	strace $0x80000048  }
0xc5: {  	_ =	swait.ge [sflag:s29], $0x1  }
0xc6: {  	[sflag:s29] =	ssyncadd.s32 $0xFFFFFFFF  }
0xc7: {  	_ =	strace $0x90000048  }
0xc8: {  	_ =	sfence  }
0xc9: {  	s30 =	sld [smem:$0x0];
	_ =	sdelay $0x2  }
0xca: {  	s31 =	sshll.u32 s1, $0xD;
	s1 =	sshrl.u32 s1, $0x2  }
0xcb: {  	s3 =	sand.u32 $0x4000, s31;
	s1 =	sadd.s32 s1, s30  }
0xcc: {  	s0 =	sor.u32 s3, s0;
	s1 =	sshll.u32 s1, $0x11  }
0xcd: {  	s0 =	sor.u32 s1, s0  }
0xce: {  	s0 =	sadd.s32 $0x8F2B, s0  }
0xcf: {  	[sflag:s0] =	ssyncadd.remote.s32 $0x1  }
0xd0: {  	_ =	sfence.sel $0xFFFF  }
0xd1: {  	[dreg:$0x0] =	wrdreg $0xFFFFFFFF;
	(pc) =	sbr.abs _section_cstart, $3  }
0xd2: {  	[dreg:$0x1] =	wrdreg $0xFFFFFFFF  }
0xd3: {  	_ =	task.clear_ibuf [dreg:s15], $0x2FFFF;
	_ =	strace $0x9FFFFFFF  }
0xd4: {  	(tm) =	ssettm $0x7FFFFFFF  }
0xd5: {  	_ =	shalt  }
tec
execute0_lowered:
.L_overlay_start_1:
0x0: {  	(tag) =	ssettag $0x1  }
0x1: {  	s0 =	rddreg [dreg:$0x0]  }
0x2: {  	s1 =	rddreg [dreg:$0x1]  }
0x3: {  	s3 =	rddreg [dreg:$0x3]  }
0x4: {  	s4 =	rddreg [dreg:$0x4]  }
0x5: {  	s5 =	rddreg [dreg:$0x6]  }
0x6: {  	s6 =	rddreg [dreg:$0x7]  }
0x7: {  	s9 =	simm.s32 $0x0;
	s2 =	srdreg.scid;
	s20 =	stileid.u32  }
0x8: {  	s29 =	simm.s32 $0x1;
	[smem:$0x7FF] =	sst s9;
	s7 =	sand.u32 $0x1, s2  }
0x9: {  	s8 =	sshll.u32 s20, $0x1;
	s17 =	sshll.u32 s20, $0x12;
	p2 =	sgt.u32 s20, $0x7  }
0xa: {  	_ =	strace $0x80000047;
	s2 =	ssub.s32 $0x2, s7;
	s10 =	sadd.s32 $0xFFFFFFF0, s8  }
0xb: {  	s13 =	sshll.u32 s7, $0x9;
	s8 =	sor.u32 s7, s8;
	p1 =	seq.s32 s7, $0x1  }
0xc: {  	s18 =	sshll.u32 s7, $0x11;
	s11 =	sshrl.u32 s2, $0x1;
	s12 =	sshll.u32 s10, $0x9  }
0xd: {  	s24 =	sshrl.u32 s10, $0x1;
	p0 =	seq.s32 s8, $0x0;
	s19 =	sor.u32 s18, s17  }
0xe: {  	s2 =	ssub.s32 s2, s11;
	s25 =	sor.u32 s13, s12;
	s14 =	smul.u32 $0x404, s24  }
0xf: {  	p0 =	por !p0, !p1;
	s12 =	sand.u32 $0x1FFFFC00, s12;
	s26 =	smul.u32 $0x202000, s24  }
0x10: {  	s11 =	smul.u32 $0x40400, s24;
	[dreg:$0xa] =	wrdreg s19;
	p1 =	sne.s32 s8, $0x0  }
0x11: {  	s8 =	simm.s32 $0x2;
	s10 =	sshll.u32 s25, $0x8;
	p0 =	por !p0, !p0  }
0x12: {  	s4 =	sadd.s32 s4, s12;
	s10 =	sand.u32 $0x1FFE0000, s10;
	s14 =	sadd.s32 s13, s14  }
0x13: {  	[dreg:$0x10] =	wrdreg s4;
	s11 =	sadd.s32 s18, s11;
	s10 =	sadd.s32 s1, s10  }
0x14: {  	s26 =	sshrl.u32 s26, $0x3;
	[dreg:$0xb] =	wrdreg s11;
	s15 =	sadd.s32 $0x800, s10  }
0x15: {  	s14 =	sshll.u32 s14, $0x8;
	s16 =	sadd.s32 $0x1000, s10;
	[dreg:$0xe] =	wrdreg s15  }
0x16: {  	s24 =	sadd.s32 $0x1800, s10;
	s25 =	sand.u32 $0x1FFFFC00, s14;
	[dreg:$0xf] =	wrdreg s16  }
0x17: {  	s15 =	simm.s32 $0x1;
	[dreg:$0x12] =	wrdreg s24;
	s16 =	sadd.s32 s6, s25  }
0x18: {  	s15 =	simm.s32 @!p0 $0x0;
	s14 =	sadd.s32 $0x800, s16;
	p0 =	seq.s32 s7, $0x0  }
0x19: {  	s15 =	ssub.s32 s20, s15;
	[dreg:$0x13] =	wrdreg s14;
	s14 =	simm.s32 $0x7  }
0x1a: {  	s20 =	simm.s32 $0x0;
	s28 =	smul.u32 $0x404, s15;
	s21 =	sshll.u32 s15, $0xA  }
0x1b: {  	s22 =	sshll.u32 s15, $0x12;
	s23 =	smul.u32 $0x40400, s15;
	s12 =	sand.u32 $0x1FFFFC00, s21  }
0x1c: {  	s11 =	sor.u32 s18, s22;
	s4 =	sadd.s32 s13, s28;
	s13 =	sor.u32 s13, s21  }
0x1d: {  	s3 =	sadd.s32 s3, s12;
	[dreg:$0xc] =	wrdreg s11;
	s28 =	sadd.s32 s6, s26  }
0x1e: {  	s26 =	sadd.s32 $0x1000, s16;
	s12 =	simm.s32 $0x4;
	[dreg:$0x11] =	wrdreg s3  }
0x1f: {  	s3 =	sadd.s32 s18, s23;
	s11 =	sadd.s32 $0x40000, s28;
	s17 =	sshll.u32 s13, $0x8  }
0x20: {  	s18 =	sshll.u32 s4, $0xB;
	s4 =	sshll.u32 s4, $0x8;
	s23 =	smul.u32 $0x202000, s15  }
0x21: {  	[dreg:$0x1a] =	wrdreg s26;
	s28 =	sadd.s32 $0x1800, s16;
	s13 =	simm.s32 $0x5  }
0x22: {  	s15 =	simm.s32 $0x6;
	[dreg:$0x14] =	wrdreg s11;
	s11 =	sand.u32 $0x1FFE0000, s17  }
0x23: {  	[dreg:$0xd] =	wrdreg s3;
	s21 =	sadd.s32 $0x4000, s18;
	s4 =	sand.u32 $0x1FFFFC00, s4  }
0x24: {  	s24 =	sadd.s32 $0x8000, s18;
	s3 =	sadd.s32 $0xC000, s18;
	[dreg:$0x1b] =	wrdreg s28  }
0x25: {  	s17 =	simm.s32 $0x8;
	s18 =	simm.s32 $0x9;
	s19 =	sadd.s32 s0, s11  }
0x26: {  	s7 =	sshrl.u32 s21, $0x3;
	s4 =	sadd.s32 s5, s4;
	s3 =	sshrl.u32 s3, $0x3  }
0x27: {  	s11 =	simm.s32 $0x3;
	[dreg:$0x15] =	wrdreg s4;
	s22 =	sadd.s32 s5, s7  }
0x28: {  	s7 =	sshrl.u32 s24, $0x3;
	s4 =	sadd.s32 $0x200000, s23;
	s3 =	sadd.s32 s5, s3  }
.Ltmp0:
0x29: {  	s30 =	sadd.s32 $0x800, s19;
	[dreg:$0x16] =	wrdreg s22;
	(pc) =	sbr.rel .LBB2_1-.Ltmp0, $4  }
0x2a: {  	s31 =	sadd.s32 $0x1000, s19;
	s7 =	sadd.s32 s5, s7;
	[dreg:$0x18] =	wrdreg s3  }
0x2b: {  	s25 =	sshrl.u32 s4, $0x3;
	s4 =	simm.s32 $0xC000;
	[dreg:$0x17] =	wrdreg s7  }
0x2c: {  	s3 =	sadd.s32 s5, s25;
	s25 =	smax.u32 s2, $0x1;
	s7 =	simm.s32 $0x4000  }
0x2d: {  	s2 =	simm.s32 $0x8000;
	[dreg:$0x19] =	wrdreg s3;
	s3 =	sadd.s32 $0x1800, s19  }
.LBB2_8:
0x2e: {  	[tilespmem:s9], [sflag:$0x9] =	stream.linear.gather [hbm4b:s22+s9], $0x2000, $0x38;
	[tilespmem:$0x10180] =	vst v63  }
0x2f: {  	_ =	swait.ge [sflag:s18], $0x2000  }
0x30: {  	[sflag:s18] =	ssyncset.done $0x0  }
0x31: {  	[sflag:s18] =	ssyncadd.s32 $0xFFFFE000  }
0x32: {  	[hbm4b:s21+s9] =	stream.linear.scatter [tilespmem:s9], [sflag:$0x9], $0x2000, $0x38;
	[tilespmem:$0x10180] =	vst v63  }
0x33: {  	_ =	swait.ge [sflag:s18], $0x2000  }
0x34: {  	[sflag:s18] =	ssyncset.done $0x0  }
0x35: {  	[sflag:s18] =	ssyncadd.s32 $0xFFFFE000  }
.LBB2_9:
0x36: {  	s21 =	simm.s32 @!p1 $0x0;
	s22 =	simm.s32 @!p1 $0x10000;
	s23 =	rddreg [dreg:$0x2]  }
0x37: {  	[tilespmem:s22], [sflag:$0x9] =	stream.linear.gather @!p1 [hbm4b:s23+s21], $0x9, $0x38;
	[tilespmem:$0x10180] =	vst v63  }
0x38: {  	s22 =	simm.s32 @!p1 $0x9  }
0x39: {  	_ =	swait.ge @!p1 [sflag:s22], $0x9  }
0x3a: {  	[sflag:s22] =	ssyncset.done @!p1 $0x0  }
0x3b: {  	[sflag:s22] =	ssyncadd.s32 @!p1 $0xFFFFFFF7  }
0x3c: {  	s23 =	simm.s32 @!p1 $0x10080;
	s24 =	rddreg [dreg:$0x5]  }
0x3d: {  	[tilespmem:s23], [sflag:$0x9] =	stream.linear.gather @!p1 [hbm4b:s24+s21], $0x9, $0x38;
	[tilespmem:$0x10180] =	vst v63  }
0x3e: {  	_ =	swait.ge @!p1 [sflag:s22], $0x9  }
0x3f: {  	[sflag:s22] =	ssyncset.done @!p1 $0x0  }
0x40: {  	[sflag:s22] =	ssyncadd.s32 @!p1 $0xFFFFFFF7  }
0x41: {  	v0 =	vld @!p1 [tilespmem:$0x10000]  }
0x42: {  	v1 =	vld @!p1 [tilespmem:$0x10080];
	_ =	sdelay $0x3  }
0x43: {  	s20 =	sadd.s32 $0x1, s20  }
0x44: {  	p3 =	sne.s32 s20, s25;
	v0 =	vadd.s32 @!p1 v0, v1  }
.Ltmp1:
0x45: {  	s23 =	simm.s32 @!p1 $0x10100;
	s24 =	rddreg [dreg:$0x8];
	[tilespmem:$0x10100] =	vst @!p1 v0;
	(pc) =	sbr.rel @!p3 .LBB2_10-.Ltmp1, $4  }
0x46: {  	[hbm4b:s24+s21] =	stream.linear.scatter @!p1 [tilespmem:s23], [sflag:$0x9], $0x9, $0x38;
	[tilespmem:$0x10180] =	vst v63  }
0x47: {  	_ =	swait.ge @!p1 [sflag:s22], $0x9  }
0x48: {  	[sflag:s22] =	ssyncset.done @!p1 $0x0  }
0x49: {  	[sflag:s22] =	ssyncadd.s32 @!p1 $0xFFFFFFF7  }
.LBB2_1:
.Ltmp2:
0x4a: {  	(pc) =	sbr.rel @p2 .LBB2_5-.Ltmp2, $2  }
0x4b: {  	_ =	sdelay $0x2  }
0x4c: {  	s21 =	simm.s32 $0x0  }
0x4d: {  	[tilespmem:s21], [sflag:$0x1] =	stream.linear.gather [hbm4b:s19+s21], $0x4000, $0x38;
	[tilespmem:$0x10180] =	vst v63  }
0x4e: {  	_ = 	snop  }
0x4f: {  	[tilespmem:s7], [sflag:$0x2] =	stream.linear.gather [hbm4b:s30+s21], $0x4000, $0x38;
	[tilespmem:$0x10180] =	vst v63  }
0x50: {  	_ = 	snop  }
0x51: {  	[tilespmem:s2], [sflag:$0x3] =	stream.linear.gather [hbm4b:s31+s21], $0x4000, $0x38;
	[tilespmem:$0x10180] =	vst v63  }
0x52: {  	_ = 	snop  }
0x53: {  	[tilespmem:s4], [sflag:$0x4] =	stream.linear.gather [hbm4b:s3+s21], $0x4000, $0x38;
	[tilespmem:$0x10180] =	vst v63  }
0x54: {  	_ =	swait.ge [sflag:s29], $0x4000  }
0x55: {  	[sflag:s29] =	ssyncset.done $0x0  }
0x56: {  	s22 =	rddreg [dreg:$0x15];
	[sflag:s29] =	ssyncadd.s32 $0xFFFFC000  }
0x57: {  	[hbm4b:s22+s21] =	stream.linear.scatter [tilespmem:s21], [sflag:$0x5], $0x4000, $0x38;
	[tilespmem:$0x10180] =	vst v63  }
0x58: {  	_ =	swait.ge [sflag:s8], $0x4000  }
0x59: {  	[sflag:s8] =	ssyncset.done $0x0  }
0x5a: {  	s24 =	rddreg [dreg:$0x16];
	[sflag:s8] =	ssyncadd.s32 $0xFFFFC000  }
0x5b: {  	[hbm4b:s24+s21] =	stream.linear.scatter [tilespmem:s7], [sflag:$0x6], $0x4000, $0x38;
	[tilespmem:$0x10180] =	vst v63  }
0x5c: {  	_ =	swait.ge [sflag:s11], $0x4000  }
0x5d: {  	[sflag:s11] =	ssyncset.done $0x0  }
0x5e: {  	s26 =	rddreg [dreg:$0x17];
	[sflag:s11] =	ssyncadd.s32 $0xFFFFC000  }
0x5f: {  	[hbm4b:s26+s21] =	stream.linear.scatter [tilespmem:s2], [sflag:$0x7], $0x4000, $0x38;
	[tilespmem:$0x10180] =	vst v63  }
0x60: {  	_ =	swait.ge [sflag:s12], $0x4000  }
0x61: {  	[sflag:s12] =	ssyncset.done $0x0  }
0x62: {  	s28 =	rddreg [dreg:$0x18];
	[sflag:s12] =	ssyncadd.s32 $0xFFFFC000  }
0x63: {  	[hbm4b:s28+s21] =	stream.linear.scatter [tilespmem:s4], [sflag:$0x8], $0x4000, $0x38;
	[tilespmem:$0x10180] =	vst v63  }
0x64: {  	_ =	swait.ge [sflag:s13], $0x4000  }
0x65: {  	s23 =	rddreg [dreg:$0xc]  }
0x66: {  	s21 =	sadd.s32 $0x0, s23  }
0x67: {  	s24 =	sadd.s32 $0x2000, s21  }
0x68: {  	[sflag:s13] =	ssyncset.done $0x0;
	s22 =	sand.u32 $0x1FFFE000, s24  }
0x69: {  	[sflag:s13] =	ssyncadd.s32 $0xFFFFC000;
	s22 =	sadd.s32 s0, s22  }
0x6a: {  	[tilespmem:s9], [sflag:$0x1] =	stream.linear.gather [hbm4b:s22+s9], $0x4000, $0x38;
	[tilespmem:$0x10180] =	vst v63  }
0x6b: {  	s26 =	sadd.s32 $0x2800, s21;
	_ =	swait.ge [sflag:s15], $0x4000  }
0x6c: {  	s22 =	sand.u32 $0x1FFFE800, s26;
	[sflag:s15] =	ssyncset.done $0x0  }
0x6d: {  	s22 =	sadd.s32 s0, s22;
	[sflag:s15] =	ssyncadd.s32 $0xFFFFC000  }
0x6e: {  	[tilespmem:s7], [sflag:$0x2] =	stream.linear.gather [hbm4b:s22+s9], $0x4000, $0x38;
	[tilespmem:$0x10180] =	vst v63  }
0x6f: {  	s28 =	sadd.s32 $0x3000, s21;
	_ =	swait.ge [sflag:s14], $0x4000  }
0x70: {  	s22 =	sand.u32 $0x1FFFF000, s28;
	[sflag:s14] =	ssyncset.done $0x0  }
0x71: {  	s22 =	sadd.s32 s0, s22;
	[sflag:s14] =	ssyncadd.s32 $0xFFFFC000  }
0x72: {  	[tilespmem:s2], [sflag:$0x3] =	stream.linear.gather [hbm4b:s22+s9], $0x4000, $0x38;
	[tilespmem:$0x10180] =	vst v63  }
0x73: {  	s21 =	sadd.s32 $0x3800, s21;
	_ =	swait.ge [sflag:s17], $0x4000  }
0x74: {  	s21 =	sand.u32 $0x1FFFF800, s21;
	[sflag:s17] =	ssyncset.done $0x0  }
0x75: {  	s21 =	sadd.s32 s0, s21;
	[sflag:s17] =	ssyncadd.s32 $0xFFFFC000  }
0x76: {  	[tilespmem:s4], [sflag:$0x4] =	stream.linear.gather [hbm4b:s21+s9], $0x4000, $0x38;
	[tilespmem:$0x10180] =	vst v63  }
0x77: {  	_ =	swait.ge [sflag:s29], $0x4000  }
0x78: {  	s22 =	rddreg [dreg:$0xd]  }
0x79: {  	s21 =	sadd.s32 $0x0, s22  }
0x7a: {  	s23 =	sadd.s32 $0x2000, s21  }
0x7b: {  	[sflag:s29] =	ssyncset.done $0x0;
	s22 =	sand.u32 $0x1FFFFC00, s23  }
0x7c: {  	[sflag:s29] =	ssyncadd.s32 $0xFFFFC000;
	s22 =	sadd.s32 s5, s22  }
0x7d: {  	[hbm4b:s22+s9] =	stream.linear.scatter [tilespmem:s9], [sflag:$0x5], $0x4000, $0x38;
	[tilespmem:$0x10180] =	vst v63  }
0x7e: {  	s24 =	sadd.s32 $0x2800, s21;
	_ =	swait.ge [sflag:s8], $0x4000  }
0x7f: {  	s22 =	sand.u32 $0x1FFFFC00, s24;
	[sflag:s8] =	ssyncset.done $0x0  }
0x80: {  	s22 =	sadd.s32 s5, s22;
	[sflag:s8] =	ssyncadd.s32 $0xFFFFC000  }
0x81: {  	[hbm4b:s22+s9] =	stream.linear.scatter [tilespmem:s7], [sflag:$0x6], $0x4000, $0x38;
	[tilespmem:$0x10180] =	vst v63  }
0x82: {  	s26 =	sadd.s32 $0x3000, s21;
	_ =	swait.ge [sflag:s11], $0x4000  }
0x83: {  	s22 =	sand.u32 $0x1FFFFC00, s26;
	[sflag:s11] =	ssyncset.done $0x0  }
0x84: {  	s22 =	sadd.s32 s5, s22;
	[sflag:s11] =	ssyncadd.s32 $0xFFFFC000  }
0x85: {  	[hbm4b:s22+s9] =	stream.linear.scatter [tilespmem:s2], [sflag:$0x7], $0x4000, $0x38;
	[tilespmem:$0x10180] =	vst v63  }
0x86: {  	s21 =	sadd.s32 $0x3800, s21;
	_ =	swait.ge [sflag:s12], $0x4000  }
0x87: {  	s28 =	sand.u32 $0x1FFFFC00, s21;
	[sflag:s12] =	ssyncset.done $0x0  }
0x88: {  	s21 =	simm.s32 $0x2000;
	s22 =	sadd.s32 s5, s28;
	[sflag:s12] =	ssyncadd.s32 $0xFFFFC000  }
.LBB2_3:
0x89: {  	[hbm4b:s22+s9] =	stream.linear.scatter [tilespmem:s4], [sflag:$0x8], $0x4000, $0x38;
	[tilespmem:$0x10180] =	vst v63  }
0x8a: {  	_ =	swait.ge [sflag:s13], $0x4000  }
0x8b: {  	s22 =	smov.u32 s21;
	s23 =	rddreg [dreg:$0xc]  }
0x8c: {  	s23 =	sadd.s32 s22, s23  }
0x8d: {  	s26 =	sadd.s32 $0x2000, s23  }
0x8e: {  	[sflag:s13] =	ssyncset.done $0x0;
	s26 =	sand.u32 $0x1FFFE000, s26  }
0x8f: {  	[sflag:s13] =	ssyncadd.s32 $0xFFFFC000;
	s26 =	sadd.s32 s0, s26  }
0x90: {  	[tilespmem:s9], [sflag:$0x1] =	stream.linear.gather [hbm4b:s26+s9], $0x4000, $0x38;
	[tilespmem:$0x10180] =	vst v63  }
0x91: {  	s28 =	sadd.s32 $0x2800, s23;
	_ =	swait.ge [sflag:s15], $0x4000  }
0x92: {  	s28 =	sand.u32 $0x1FFFE800, s28;
	[sflag:s15] =	ssyncset.done $0x0  }
0x93: {  	s28 =	sadd.s32 s0, s28;
	[sflag:s15] =	ssyncadd.s32 $0xFFFFC000  }
0x94: {  	[tilespmem:s7], [sflag:$0x2] =	stream.linear.gather [hbm4b:s28+s9], $0x4000, $0x38;
	[tilespmem:$0x10180] =	vst v63  }
0x95: {  	s24 =	sadd.s32 $0x3000, s23;
	_ =	swait.ge [sflag:s14], $0x4000  }
0x96: {  	s24 =	sand.u32 $0x1FFFF000, s24;
	[sflag:s14] =	ssyncset.done $0x0  }
0x97: {  	s24 =	sadd.s32 s0, s24;
	[sflag:s14] =	ssyncadd.s32 $0xFFFFC000  }
0x98: {  	[tilespmem:s2], [sflag:$0x3] =	stream.linear.gather [hbm4b:s24+s9], $0x4000, $0x38;
	[tilespmem:$0x10180] =	vst v63  }
0x99: {  	s23 =	sadd.s32 $0x3800, s23;
	_ =	swait.ge [sflag:s17], $0x4000  }
0x9a: {  	s23 =	sand.u32 $0x1FFFF800, s23;
	[sflag:s17] =	ssyncset.done $0x0  }
0x9b: {  	s23 =	sadd.s32 s0, s23;
	[sflag:s17] =	ssyncadd.s32 $0xFFFFC000  }
0x9c: {  	[tilespmem:s4], [sflag:$0x4] =	stream.linear.gather [hbm4b:s23+s9], $0x4000, $0x38;
	[tilespmem:$0x10180] =	vst v63  }
0x9d: {  	_ =	swait.ge [sflag:s29], $0x4000  }
0x9e: {  	s24 =	rddreg [dreg:$0xd]  }
0x9f: {  	s22 =	sadd.s32 s22, s24  }
0xa0: {  	s23 =	sadd.s32 $0x2000, s22  }
0xa1: {  	[sflag:s29] =	ssyncset.done $0x0;
	s23 =	sand.u32 $0x1FFFFC00, s23  }
0xa2: {  	[sflag:s29] =	ssyncadd.s32 $0xFFFFC000;
	s23 =	sadd.s32 s5, s23  }
0xa3: {  	[hbm4b:s23+s9] =	stream.linear.scatter [tilespmem:s9], [sflag:$0x5], $0x4000, $0x38;
	[tilespmem:$0x10180] =	vst v63  }
0xa4: {  	s26 =	sadd.s32 $0x2800, s22;
	_ =	swait.ge [sflag:s8], $0x4000  }
0xa5: {  	s24 =	sand.u32 $0x1FFFFC00, s26;
	[sflag:s8] =	ssyncset.done $0x0  }
0xa6: {  	s24 =	sadd.s32 s5, s24;
	[sflag:s8] =	ssyncadd.s32 $0xFFFFC000  }
0xa7: {  	[hbm4b:s24+s9] =	stream.linear.scatter [tilespmem:s7], [sflag:$0x6], $0x4000, $0x38;
	[tilespmem:$0x10180] =	vst v63  }
0xa8: {  	s28 =	sadd.s32 $0x3000, s22;
	_ =	swait.ge [sflag:s11], $0x4000  }
0xa9: {  	p3 =	sne.s32 s21, $0x1C000;
	s26 =	sand.u32 $0x1FFFFC00, s28;
	[sflag:s11] =	ssyncset.done $0x0  }
.Ltmp3:
0xaa: {  	s28 =	sadd.s32 s5, s26;
	[sflag:s11] =	ssyncadd.s32 $0xFFFFC000;
	(pc) =	sbr.rel @p3 .LBB2_3-.Ltmp3, $4  }
0xab: {  	[hbm4b:s28+s9] =	stream.linear.scatter [tilespmem:s2], [sflag:$0x7], $0x4000, $0x38;
	[tilespmem:$0x10180] =	vst v63  }
0xac: {  	s22 =	sadd.s32 $0x3800, s22;
	_ =	swait.ge [sflag:s12], $0x4000  }
0xad: {  	s22 =	sand.u32 $0x1FFFFC00, s22;
	[sflag:s12] =	ssyncset.done $0x0  }
0xae: {  	s21 =	sadd.s32 $0x2000, s21;
	s22 =	sadd.s32 s5, s22;
	[sflag:s12] =	ssyncadd.s32 $0xFFFFC000  }
0xaf: {  	[hbm4b:s22+s9] =	stream.linear.scatter [tilespmem:s4], [sflag:$0x8], $0x4000, $0x38;
	[tilespmem:$0x10180] =	vst v63  }
0xb0: {  	_ =	swait.ge [sflag:s13], $0x4000  }
0xb1: {  	[sflag:s13] =	ssyncset.done $0x0  }
0xb2: {  	[sflag:s13] =	ssyncadd.s32 $0xFFFFC000  }
0xb3: {  	_ =	swait.ge [sflag:s15], $0x4000  }
0xb4: {  	[sflag:s15] =	ssyncset.done $0x0  }
0xb5: {  	[sflag:s15] =	ssyncadd.s32 $0xFFFFC000  }
0xb6: {  	_ =	swait.ge [sflag:s14], $0x4000  }
.Ltmp4:
0xb7: {  	[sflag:s14] =	ssyncset.done $0x0;
	(pc) =	sbr.rel @p0 .LBB2_9-.Ltmp4, $4  }
.Ltmp5:
0xb8: {  	[sflag:s14] =	ssyncadd.s32 $0xFFFFC000;
	(pc) =	sbr.rel @!p0 .LBB2_8-.Ltmp5, $4  }
0xb9: {  	_ =	swait.ge [sflag:s17], $0x4000  }
0xba: {  	[sflag:s17] =	ssyncset.done $0x0;
	s22 =	rddreg [dreg:$0x11]  }
0xbb: {  	s21 =	rddreg [dreg:$0x19];
	[sflag:s17] =	ssyncadd.s32 $0xFFFFC000  }
0xbc: {  	_ = 	snop  }
.LBB2_5:
0xbd: {  	[tilespmem:s21], [sflag:$0x1] =	stream.linear.gather [hbm4b:s10+s21], $0x4000, $0x38;
	[tilespmem:$0x10180] =	vst v63  }
0xbe: {  	s22 =	rddreg [dreg:$0xe]  }
0xbf: {  	[tilespmem:s7], [sflag:$0x2] =	stream.linear.gather [hbm4b:s22+s21], $0x4000, $0x38;
	[tilespmem:$0x10180] =	vst v63  }
0xc0: {  	s28 =	rddreg [dreg:$0xf]  }
0xc1: {  	[tilespmem:s2], [sflag:$0x3] =	stream.linear.gather [hbm4b:s28+s21], $0x4000, $0x38;
	[tilespmem:$0x10180] =	vst v63  }
0xc2: {  	s23 =	rddreg [dreg:$0x12]  }
0xc3: {  	[tilespmem:s4], [sflag:$0x4] =	stream.linear.gather [hbm4b:s23+s21], $0x4000, $0x38;
	[tilespmem:$0x10180] =	vst v63  }
0xc4: {  	_ =	swait.ge [sflag:s29], $0x4000  }
0xc5: {  	[sflag:s29] =	ssyncset.done $0x0  }
0xc6: {  	[sflag:s29] =	ssyncadd.s32 $0xFFFFC000  }
0xc7: {  	[hbm4b:s16+s21] =	stream.linear.scatter [tilespmem:s21], [sflag:$0x5], $0x4000, $0x38;
	[tilespmem:$0x10180] =	vst v63  }
0xc8: {  	_ =	swait.ge [sflag:s8], $0x4000  }
0xc9: {  	[sflag:s8] =	ssyncset.done $0x0  }
0xca: {  	s24 =	rddreg [dreg:$0x13];
	[sflag:s8] =	ssyncadd.s32 $0xFFFFC000  }
0xcb: {  	[hbm4b:s24+s21] =	stream.linear.scatter [tilespmem:s7], [sflag:$0x6], $0x4000, $0x38;
	[tilespmem:$0x10180] =	vst v63  }
0xcc: {  	_ =	swait.ge [sflag:s11], $0x4000  }
0xcd: {  	[sflag:s11] =	ssyncset.done $0x0  }
0xce: {  	s26 =	rddreg [dreg:$0x1a];
	[sflag:s11] =	ssyncadd.s32 $0xFFFFC000  }
0xcf: {  	[hbm4b:s26+s21] =	stream.linear.scatter [tilespmem:s2], [sflag:$0x7], $0x4000, $0x38;
	[tilespmem:$0x10180] =	vst v63  }
0xd0: {  	_ =	swait.ge [sflag:s12], $0x4000  }
0xd1: {  	[sflag:s12] =	ssyncset.done $0x0  }
0xd2: {  	s28 =	rddreg [dreg:$0x1b];
	[sflag:s12] =	ssyncadd.s32 $0xFFFFC000  }
0xd3: {  	[hbm4b:s28+s21] =	stream.linear.scatter [tilespmem:s4], [sflag:$0x8], $0x4000, $0x38;
	[tilespmem:$0x10180] =	vst v63  }
0xd4: {  	_ =	swait.ge [sflag:s13], $0x4000  }
0xd5: {  	s23 =	rddreg [dreg:$0xa]  }
0xd6: {  	s21 =	sadd.s32 $0x0, s23  }
0xd7: {  	s24 =	sadd.s32 $0xFFE02000, s21  }
0xd8: {  	[sflag:s13] =	ssyncset.done $0x0;
	s22 =	sand.u32 $0x1FFFE000, s24  }
0xd9: {  	[sflag:s13] =	ssyncadd.s32 $0xFFFFC000;
	s22 =	sadd.s32 s1, s22  }
0xda: {  	[tilespmem:s9], [sflag:$0x1] =	stream.linear.gather [hbm4b:s22+s9], $0x4000, $0x38;
	[tilespmem:$0x10180] =	vst v63  }
0xdb: {  	s26 =	sadd.s32 $0xFFE02800, s21;
	_ =	swait.ge [sflag:s15], $0x4000  }
0xdc: {  	s22 =	sand.u32 $0x1FFFE800, s26;
	[sflag:s15] =	ssyncset.done $0x0  }
0xdd: {  	s22 =	sadd.s32 s1, s22;
	[sflag:s15] =	ssyncadd.s32 $0xFFFFC000  }
0xde: {  	[tilespmem:s7], [sflag:$0x2] =	stream.linear.gather [hbm4b:s22+s9], $0x4000, $0x38;
	[tilespmem:$0x10180] =	vst v63  }
0xdf: {  	s28 =	sadd.s32 $0xFFE03000, s21;
	_ =	swait.ge [sflag:s14], $0x4000  }
0xe0: {  	s22 =	sand.u32 $0x1FFFF000, s28;
	[sflag:s14] =	ssyncset.done $0x0  }
0xe1: {  	s22 =	sadd.s32 s1, s22;
	[sflag:s14] =	ssyncadd.s32 $0xFFFFC000  }
0xe2: {  	[tilespmem:s2], [sflag:$0x3] =	stream.linear.gather [hbm4b:s22+s9], $0x4000, $0x38;
	[tilespmem:$0x10180] =	vst v63  }
0xe3: {  	s21 =	sadd.s32 $0xFFE03800, s21;
	_ =	swait.ge [sflag:s17], $0x4000  }
0xe4: {  	s21 =	sand.u32 $0x1FFFF800, s21;
	[sflag:s17] =	ssyncset.done $0x0  }
0xe5: {  	s21 =	sadd.s32 s1, s21;
	[sflag:s17] =	ssyncadd.s32 $0xFFFFC000  }
0xe6: {  	[tilespmem:s4], [sflag:$0x4] =	stream.linear.gather [hbm4b:s21+s9], $0x4000, $0x38;
	[tilespmem:$0x10180] =	vst v63  }
0xe7: {  	_ =	swait.ge [sflag:s29], $0x4000  }
0xe8: {  	s22 =	rddreg [dreg:$0xb]  }
0xe9: {  	s21 =	sadd.s32 $0x0, s22  }
0xea: {  	s23 =	sadd.s32 $0x2000, s21  }
0xeb: {  	[sflag:s29] =	ssyncset.done $0x0;
	s22 =	sand.u32 $0x1FFFFC00, s23  }
0xec: {  	[sflag:s29] =	ssyncadd.s32 $0xFFFFC000;
	s22 =	sadd.s32 s6, s22  }
0xed: {  	[hbm4b:s22+s9] =	stream.linear.scatter [tilespmem:s9], [sflag:$0x5], $0x4000, $0x38;
	[tilespmem:$0x10180] =	vst v63  }
0xee: {  	s24 =	sadd.s32 $0x2800, s21;
	_ =	swait.ge [sflag:s8], $0x4000  }
0xef: {  	s22 =	sand.u32 $0x1FFFFC00, s24;
	[sflag:s8] =	ssyncset.done $0x0  }
0xf0: {  	s22 =	sadd.s32 s6, s22;
	[sflag:s8] =	ssyncadd.s32 $0xFFFFC000  }
0xf1: {  	[hbm4b:s22+s9] =	stream.linear.scatter [tilespmem:s7], [sflag:$0x6], $0x4000, $0x38;
	[tilespmem:$0x10180] =	vst v63  }
0xf2: {  	s26 =	sadd.s32 $0x3000, s21;
	_ =	swait.ge [sflag:s11], $0x4000  }
0xf3: {  	s22 =	sand.u32 $0x1FFFFC00, s26;
	[sflag:s11] =	ssyncset.done $0x0  }
0xf4: {  	s22 =	sadd.s32 s6, s22;
	[sflag:s11] =	ssyncadd.s32 $0xFFFFC000  }
0xf5: {  	[hbm4b:s22+s9] =	stream.linear.scatter [tilespmem:s2], [sflag:$0x7], $0x4000, $0x38;
	[tilespmem:$0x10180] =	vst v63  }
0xf6: {  	s21 =	sadd.s32 $0x3800, s21;
	_ =	swait.ge [sflag:s12], $0x4000  }
0xf7: {  	s28 =	sand.u32 $0x1FFFFC00, s21;
	[sflag:s12] =	ssyncset.done $0x0  }
0xf8: {  	s21 =	simm.s32 $0x2000;
	s22 =	sadd.s32 s6, s28;
	[sflag:s12] =	ssyncadd.s32 $0xFFFFC000  }
.LBB2_6:
0xf9: {  	[hbm4b:s22+s9] =	stream.linear.scatter [tilespmem:s4], [sflag:$0x8], $0x4000, $0x38;
	[tilespmem:$0x10180] =	vst v63  }
0xfa: {  	_ =	swait.ge [sflag:s13], $0x4000  }
0xfb: {  	s22 =	smov.u32 s21;
	s23 =	rddreg [dreg:$0xa]  }
0xfc: {  	s23 =	sadd.s32 s22, s23  }
0xfd: {  	s24 =	sadd.s32 $0xFFE02000, s23  }
0xfe: {  	[sflag:s13] =	ssyncset.done $0x0;
	s24 =	sand.u32 $0x1FFFE000, s24  }
0xff: {  	[sflag:s13] =	ssyncadd.s32 $0xFFFFC000;
	s24 =	sadd.s32 s1, s24  }
0x100: {  	[tilespmem:s9], [sflag:$0x1] =	stream.linear.gather [hbm4b:s24+s9], $0x4000, $0x38;
	[tilespmem:$0x10180] =	vst v63  }
0x101: {  	s26 =	sadd.s32 $0xFFE02800, s23;
	_ =	swait.ge [sflag:s15], $0x4000  }
0x102: {  	s26 =	sand.u32 $0x1FFFE800, s26;
	[sflag:s15] =	ssyncset.done $0x0  }
0x103: {  	s26 =	sadd.s32 s1, s26;
	[sflag:s15] =	ssyncadd.s32 $0xFFFFC000  }
0x104: {  	[tilespmem:s7], [sflag:$0x2] =	stream.linear.gather [hbm4b:s26+s9], $0x4000, $0x38;
	[tilespmem:$0x10180] =	vst v63  }
0x105: {  	s28 =	sadd.s32 $0xFFE03000, s23;
	_ =	swait.ge [sflag:s14], $0x4000  }
0x106: {  	s28 =	sand.u32 $0x1FFFF000, s28;
	[sflag:s14] =	ssyncset.done $0x0  }
0x107: {  	s28 =	sadd.s32 s1, s28;
	[sflag:s14] =	ssyncadd.s32 $0xFFFFC000  }
0x108: {  	[tilespmem:s2], [sflag:$0x3] =	stream.linear.gather [hbm4b:s28+s9], $0x4000, $0x38;
	[tilespmem:$0x10180] =	vst v63  }
0x109: {  	s23 =	sadd.s32 $0xFFE03800, s23;
	_ =	swait.ge [sflag:s17], $0x4000  }
0x10a: {  	s23 =	sand.u32 $0x1FFFF800, s23;
	[sflag:s17] =	ssyncset.done $0x0  }
0x10b: {  	s23 =	sadd.s32 s1, s23;
	[sflag:s17] =	ssyncadd.s32 $0xFFFFC000  }
0x10c: {  	[tilespmem:s4], [sflag:$0x4] =	stream.linear.gather [hbm4b:s23+s9], $0x4000, $0x38;
	[tilespmem:$0x10180] =	vst v63  }
0x10d: {  	_ =	swait.ge [sflag:s29], $0x4000  }
0x10e: {  	s24 =	rddreg [dreg:$0xb]  }
0x10f: {  	s22 =	sadd.s32 s22, s24  }
0x110: {  	s23 =	sadd.s32 $0x2000, s22  }
0x111: {  	[sflag:s29] =	ssyncset.done $0x0;
	s23 =	sand.u32 $0x1FFFFC00, s23  }
0x112: {  	[sflag:s29] =	ssyncadd.s32 $0xFFFFC000;
	s23 =	sadd.s32 s6, s23  }
0x113: {  	[hbm4b:s23+s9] =	stream.linear.scatter [tilespmem:s9], [sflag:$0x5], $0x4000, $0x38;
	[tilespmem:$0x10180] =	vst v63  }
0x114: {  	s26 =	sadd.s32 $0x2800, s22;
	_ =	swait.ge [sflag:s8], $0x4000  }
0x115: {  	s24 =	sand.u32 $0x1FFFFC00, s26;
	[sflag:s8] =	ssyncset.done $0x0  }
0x116: {  	s24 =	sadd.s32 s6, s24;
	[sflag:s8] =	ssyncadd.s32 $0xFFFFC000  }
0x117: {  	[hbm4b:s24+s9] =	stream.linear.scatter [tilespmem:s7], [sflag:$0x6], $0x4000, $0x38;
	[tilespmem:$0x10180] =	vst v63  }
0x118: {  	s28 =	sadd.s32 $0x3000, s22;
	_ =	swait.ge [sflag:s11], $0x4000  }
0x119: {  	p3 =	sne.s32 s21, $0x1C000;
	s26 =	sand.u32 $0x1FFFFC00, s28;
	[sflag:s11] =	ssyncset.done $0x0  }
.Ltmp6:
0x11a: {  	s28 =	sadd.s32 s6, s26;
	[sflag:s11] =	ssyncadd.s32 $0xFFFFC000;
	(pc) =	sbr.rel @p3 .LBB2_6-.Ltmp6, $4  }
0x11b: {  	[hbm4b:s28+s9] =	stream.linear.scatter [tilespmem:s2], [sflag:$0x7], $0x4000, $0x38;
	[tilespmem:$0x10180] =	vst v63  }
0x11c: {  	s22 =	sadd.s32 $0x3800, s22;
	_ =	swait.ge [sflag:s12], $0x4000  }
0x11d: {  	s22 =	sand.u32 $0x1FFFFC00, s22;
	[sflag:s12] =	ssyncset.done $0x0  }
0x11e: {  	s21 =	sadd.s32 $0x2000, s21;
	s22 =	sadd.s32 s6, s22;
	[sflag:s12] =	ssyncadd.s32 $0xFFFFC000  }
0x11f: {  	[hbm4b:s22+s9] =	stream.linear.scatter [tilespmem:s4], [sflag:$0x8], $0x4000, $0x38;
	[tilespmem:$0x10180] =	vst v63  }
0x120: {  	_ =	swait.ge [sflag:s13], $0x4000  }
0x121: {  	[sflag:s13] =	ssyncset.done $0x0  }
0x122: {  	[sflag:s13] =	ssyncadd.s32 $0xFFFFC000  }
0x123: {  	_ =	swait.ge [sflag:s15], $0x4000  }
0x124: {  	[sflag:s15] =	ssyncset.done $0x0  }
0x125: {  	[sflag:s15] =	ssyncadd.s32 $0xFFFFC000  }
0x126: {  	_ =	swait.ge [sflag:s14], $0x4000  }
.Ltmp7:
0x127: {  	[sflag:s14] =	ssyncset.done $0x0;
	(pc) =	sbr.rel @p0 .LBB2_9-.Ltmp7, $4  }
.Ltmp8:
0x128: {  	[sflag:s14] =	ssyncadd.s32 $0xFFFFC000;
	(pc) =	sbr.rel @!p0 .LBB2_8-.Ltmp8, $4  }
0x129: {  	_ =	swait.ge [sflag:s17], $0x4000  }
0x12a: {  	[sflag:s17] =	ssyncset.done $0x0;
	s22 =	rddreg [dreg:$0x10]  }
0x12b: {  	s21 =	rddreg [dreg:$0x14];
	[sflag:s17] =	ssyncadd.s32 $0xFFFFC000  }
0x12c: {  	_ = 	snop  }
.LBB2_10:
0x12d: {  	_ =	sfence.sel $0x180000  }
0x12e: {  	[bflag:$0x0] =	sbarrier.arrive $0xFFFF  }
0x12f: {  	_ =	strace $0x90000047  }
0x130: {  	s0 =	stileid.u32;
	[bflag:$0x2] =	sbarrier.arrive $0xFFFF  }
0x131: {  	p0 =	sne.s32 s0, $0x0;
	s0 =	rddreg [dreg:$0x9]  }
0x132: {  	s0 =	sadd.s32 @!p0 $0x100000, s0  }
0x133: {  	[sflag:s0] =	ssyncadd.tile.s32 @!p0 $0x1;
	_ =	shalt  }
.Lfunc_end2:
_tile_overlayer_lowered:
.L_overlay_start_2:
0x134: {  	(tag) =	ssettag $0x2  }
0x135: {  	s0 =	rddreg [dreg:$0x0];
	s2 =	stileid.u32  }
0x136: {  	s1 =	rddreg [dreg:$0x1];
	p0 =	sne.s32 s2, $0x0  }
0x137: {  	s3 =	rddreg [dreg:$0x2];
	[bflag:$0x3] =	sbarrier.arrive $0xFFFF;
	s2 =	simm.s32 @!p0 $0x1C09  }
0x138: {  	[timem:s3], [sflag:s2] =	dma.local @!p0 [hbm:s0], s1  }
0x139: {  	s0 =	simm.s32 @!p0 $0x9  }
0x13a: {  	_ =	swait.ge @!p0 [sflag:s0], s1  }
0x13b: {  	s1 =	ssub.s32 @!p0 $0x0, s1;
	[sflag:s0] =	ssyncset.done @!p0 $0x0  }
0x13c: {  	[sflag:s0] =	ssyncadd.s32 @!p0 s1  }
0x13d: {  	[bflag:$0x3] =	sbarrier.arrive $0xFFFF  }
0x13e: {  	_ =	shalt  }

</sc_bundles>
